<compile_context>
chip_gen: v7x
topology: tpu7x:2x2x1
jax: 0.10.2.dev20260603
libtpu: 0.0.44.dev20260713+nightly
codegen_flags: <defaults>
</compile_context>

<pallas_src>
import jax
import jax.numpy as jnp
from jax import lax
from jax.experimental import pallas as pl
from jax.experimental.pallas import tpu as pltpu
from jax.experimental.pallas import tpu_sc as plsc

SEQ = 8192
D = 1024
L = 16
NC = 2
NS = 16
NW = NC * NS
RW = SEQ // NW
C = 8
NCH = RW // C
NB = 4


def _sc_body(x_hbm, pe_hbm, idx_hbm, out_hbm, idx_all, x_bufs, pe_bufs,
             xsems, gsems, osems):
    wid = lax.axis_index("s") * NC + lax.axis_index("c")
    base = wid * RW

    def xstart(c, b):
        pltpu.async_copy(x_hbm.at[pl.ds(base + c * C, C), :], x_bufs[b],
                         xsems[b])

    def gstart(c, b):
        pltpu.async_copy(pe_hbm.at[idx_all.at[pl.ds(c * C, C)]], pe_bufs[b],
                         gsems[b])

    def lstart(c, b):
        xstart(c, b)
        gstart(c, b)

    def lwait(b):
        pltpu.make_async_copy(x_hbm.at[pl.ds(0, C), :], x_bufs[b],
                              xsems[b]).wait()
        pltpu.make_async_copy(pe_hbm.at[idx_all.at[pl.ds(0, C)]], pe_bufs[b],
                              gsems[b]).wait()

    def ostart(c, b):
        pltpu.async_copy(x_bufs[b], out_hbm.at[pl.ds(base + c * C, C), :],
                         osems[b])

    def owait(b):
        pltpu.make_async_copy(x_bufs[b], out_hbm.at[pl.ds(0, C), :],
                              osems[b]).wait()

    for c in range(NB - 1):
        xstart(c, c)
    pltpu.sync_copy(idx_hbm.at[pl.ds(base, RW)], idx_all)
    for c in range(NB - 1):
        gstart(c, c)

    @pl.loop(0, NCH, step=NB)
    def _outer(ci0):
        for b in range(NB):
            ci = ci0 + b
            pb = (b - 1) % NB

            if b == 0:
                @pl.when(ci0 >= 1)
                def _():
                    owait(pb)
            else:
                owait(pb)

            @pl.when(ci + NB - 1 < NCH)
            def _():
                lstart(ci + NB - 1, pb)

            lwait(b)

            @pl.loop(0, C)
            def _row(r):
                @pl.loop(0, D // L, unroll=8)
                def _add(j):
                    sl = pl.ds(j * L, L)
                    plsc.addupdate(x_bufs[b].at[r, sl], pe_bufs[b][r, sl])

            ostart(ci, b)

    owait((NCH - 1) % NB)


def kernel(x, pe, frame_indices):
    mesh = plsc.VectorSubcoreMesh(core_axis_name="c", subcore_axis_name="s")
    k = pl.kernel(
        _sc_body,
        out_type=jax.ShapeDtypeStruct((SEQ, D), jnp.float32),
        mesh=mesh,
        scratch_types=[
            pltpu.VMEM((RW,), jnp.int32),
            [pltpu.VMEM((C, D), jnp.float32) for _ in range(NB)],
            [pltpu.VMEM((C, D), jnp.float32) for _ in range(NB)],
            [pltpu.SemaphoreType.DMA for _ in range(NB)],
            [pltpu.SemaphoreType.DMA for _ in range(NB)],
            [pltpu.SemaphoreType.DMA for _ in range(NB)],
        ],
    )
    return k(x, pe, frame_indices)

# --- scband reference (transcript-rebuilt; emitter-appended) ---
"""Pipeline reference for scband-positional-encoding-35424890257660 (READ-ONLY COPY).

The authoritative reference and input builder live on the scoring server;
editing this copy changes nothing except your own understanding.
"""

import jax, jax.numpy as jnp
import numpy as np
import math

MAX_LEN = 8192
D_MODEL = 1024
SEQ_LEN = 8192

def make_pe(max_len, d_model):
    position = np.arange(max_len, dtype=np.float64)[:, None]
    div_term = np.exp(np.arange(0, d_model, 2, dtype=np.float64) * (-math.log(10000.0) / d_model))
    pe = np.zeros((max_len, d_model), dtype=np.float32)
    pe[:, 0::2] = np.sin(position * div_term).astype(np.float32)
    pe[:, 1::2] = np.cos(position * div_term).astype(np.float32)
    return jnp.asarray(pe)

def setup_inputs(seed: int = 0) -> dict:
    key = jax.random.key(seed)
    k1, k2 = jax.random.split(key)
    x = jax.random.normal(k1, (SEQ_LEN, D_MODEL), dtype=jnp.float32)
    frame_indices = jax.random.randint(k2, (SEQ_LEN,), 0, MAX_LEN, dtype=jnp.int32)
    pe = make_pe(MAX_LEN, D_MODEL)
    return {"x": x, "pe": pe, "frame_indices": frame_indices}

def reference(x, pe, frame_indices):
    # ecd_type == 'add' with frame_indices provided:
    # x = x + pe[frame_indices, :]; dropout p=0.0 -> identity
    gathered = jnp.take(pe, frame_indices, axis=0)
    return x + gathered

if __name__ == "__main__":
    import jax
    _d = setup_inputs()
    print(jax.jit(kernel)(*tuple(_d.values())))

</pallas_src>

<mosaic_0001>
#map = affine_map<(d0, d1) -> (0, 0)>
#map1 = affine_map<(d0, d1) -> (0)>
module attributes {stable_mosaic.version = 14 : i64} {
  func.func @_sc_body(%arg0: i32, %arg1: i32, %arg2: memref<8192x1024xf32, #tpu.memory_space<hbm>>, %arg3: memref<8192x1024xf32, #tpu.memory_space<hbm>>, %arg4: memref<8192xi32, #tpu.memory_space<hbm>>, %arg5: memref<8192x1024xf32, #tpu.memory_space<hbm>>, %arg6: memref<256xi32, #tpu.memory_space<vmem>>, %arg7: memref<8x1024xf32, #tpu.memory_space<vmem>>, %arg8: memref<8x1024xf32, #tpu.memory_space<vmem>>, %arg9: memref<8x1024xf32, #tpu.memory_space<vmem>>, %arg10: memref<8x1024xf32, #tpu.memory_space<vmem>>, %arg11: memref<8x1024xf32, #tpu.memory_space<vmem>>, %arg12: memref<8x1024xf32, #tpu.memory_space<vmem>>, %arg13: memref<8x1024xf32, #tpu.memory_space<vmem>>, %arg14: memref<8x1024xf32, #tpu.memory_space<vmem>>, %arg15: memref<!tpu.dma_semaphore, #tpu.memory_space<semaphore_mem>>, %arg16: memref<!tpu.dma_semaphore, #tpu.memory_space<semaphore_mem>>, %arg17: memref<!tpu.dma_semaphore, #tpu.memory_space<semaphore_mem>>, %arg18: memref<!tpu.dma_semaphore, #tpu.memory_space<semaphore_mem>>, %arg19: memref<!tpu.dma_semaphore, #tpu.memory_space<semaphore_mem>>, %arg20: memref<!tpu.dma_semaphore, #tpu.memory_space<semaphore_mem>>, %arg21: memref<!tpu.dma_semaphore, #tpu.memory_space<semaphore_mem>>, %arg22: memref<!tpu.dma_semaphore, #tpu.memory_space<semaphore_mem>>, %arg23: memref<!tpu.dma_semaphore, #tpu.memory_space<semaphore_mem>>, %arg24: memref<!tpu.dma_semaphore, #tpu.memory_space<semaphore_mem>>, %arg25: memref<!tpu.dma_semaphore, #tpu.memory_space<semaphore_mem>>, %arg26: memref<!tpu.dma_semaphore, #tpu.memory_space<semaphore_mem>>) attributes {dimension_semantics = [#tpu.dimension_semantics<core_parallel>, #tpu.dimension_semantics<subcore_parallel>], iteration_bounds = array<i64: 2, 16>, scalar_prefetch = 0 : i64, scratch_operands = 21 : i64, tpu.core_type = #tpu.core_type<sc_vector_subcore>, window_params = [{transform_indices = #map}, {transform_indices = #map}, {transform_indices = #map1}, {transform_indices = #map}]} {
    %mul3A = arith.constant 2 : i32
    %mul3A_0 = arith.muli %arg1, %mul3A : i32
    %add3A = arith.addi %mul3A_0, %arg0 : i32
    %mul3A_1 = arith.constant 256 : i32
    %mul3A_2 = arith.muli %add3A, %mul3A_1 : i32
    %add3A_3 = arith.constant 0 : i32
    %add3A_4 = arith.addi %mul3A_2, %add3A_3 : i32
    %dma_start3A = arith.constant 0 : i32
    %dma_start3A_5 = tpu.memref_slice %arg2[%add3A_4, %dma_start3A] : memref<8192x1024xf32, #tpu.memory_space<hbm>> -> memref<8x1024xf32, #tpu.memory_space<hbm>>
    %dma_start3A_6 = arith.constant 0 : i32
    %dma_start3A_7 = tpu.memref_slice %arg2[%add3A_4, %dma_start3A_6] : memref<8192x1024xf32, #tpu.memory_space<hbm>> -> memref<8x1024xf32, #tpu.memory_space<hbm>>
    tpu.enqueue_dma source(%dma_start3A_7 : memref<8x1024xf32, #tpu.memory_space<hbm>>) target(%arg7 : memref<8x1024xf32, #tpu.memory_space<vmem>>) target_semaphore(%arg15 : memref<!tpu.dma_semaphore, #tpu.memory_space<semaphore_mem>>)
    %add3A_8 = arith.constant 8 : i32
    %add3A_9 = arith.addi %mul3A_2, %add3A_8 : i32
    %dma_start3A_10 = arith.constant 0 : i32
    %dma_start3A_11 = tpu.memref_slice %arg2[%add3A_9, %dma_start3A_10] : memref<8192x1024xf32, #tpu.memory_space<hbm>> -> memref<8x1024xf32, #tpu.memory_space<hbm>>
    %dma_start3A_12 = arith.constant 0 : i32
    %dma_start3A_13 = tpu.memref_slice %arg2[%add3A_9, %dma_start3A_12] : memref<8192x1024xf32, #tpu.memory_space<hbm>> -> memref<8x1024xf32, #tpu.memory_space<hbm>>
    tpu.enqueue_dma source(%dma_start3A_13 : memref<8x1024xf32, #tpu.memory_space<hbm>>) target(%arg8 : memref<8x1024xf32, #tpu.memory_space<vmem>>) target_semaphore(%arg16 : memref<!tpu.dma_semaphore, #tpu.memory_space<semaphore_mem>>)
    %add3A_14 = arith.constant 16 : i32
    %add3A_15 = arith.addi %mul3A_2, %add3A_14 : i32
    %dma_start3A_16 = arith.constant 0 : i32
    %dma_start3A_17 = tpu.memref_slice %arg2[%add3A_15, %dma_start3A_16] : memref<8192x1024xf32, #tpu.memory_space<hbm>> -> memref<8x1024xf32, #tpu.memory_space<hbm>>
    %dma_start3A_18 = arith.constant 0 : i32
    %dma_start3A_19 = tpu.memref_slice %arg2[%add3A_15, %dma_start3A_18] : memref<8192x1024xf32, #tpu.memory_space<hbm>> -> memref<8x1024xf32, #tpu.memory_space<hbm>>
    tpu.enqueue_dma source(%dma_start3A_19 : memref<8x1024xf32, #tpu.memory_space<hbm>>) target(%arg9 : memref<8x1024xf32, #tpu.memory_space<vmem>>) target_semaphore(%arg17 : memref<!tpu.dma_semaphore, #tpu.memory_space<semaphore_mem>>)
    "tpu.region"() ({
      %run_scoped3A = tpu.sem_alloc : memref<!tpu.dma_semaphore, #tpu.memory_space<semaphore_mem>>
      %dma_start3A_44 = tpu.memref_slice %arg4[%mul3A_2] : memref<8192xi32, #tpu.memory_space<hbm>> -> memref<256xi32, #tpu.memory_space<hbm>>
      %dma_start3A_45 = tpu.memref_slice %arg4[%mul3A_2] : memref<8192xi32, #tpu.memory_space<hbm>> -> memref<256xi32, #tpu.memory_space<hbm>>
      tpu.enqueue_dma source(%dma_start3A_45 : memref<256xi32, #tpu.memory_space<hbm>>) target(%arg6 : memref<256xi32, #tpu.memory_space<vmem>>) target_semaphore(%run_scoped3A : memref<!tpu.dma_semaphore, #tpu.memory_space<semaphore_mem>>)
      %dma_wait3A_46 = tpu.memref_slice %arg4[%mul3A_2] : memref<8192xi32, #tpu.memory_space<hbm>> -> memref<256xi32, #tpu.memory_space<hbm>>
      %dma_wait3A_47 = tpu.memref_slice %arg4[%mul3A_2] : memref<8192xi32, #tpu.memory_space<hbm>> -> memref<256xi32, #tpu.memory_space<hbm>>
      tpu.wait_dma2 semaphore(%run_scoped3A : memref<!tpu.dma_semaphore, #tpu.memory_space<semaphore_mem>>) src(%dma_wait3A_47 : memref<256xi32, #tpu.memory_space<hbm>>) dst(%arg6 : memref<256xi32, #tpu.memory_space<vmem>>)
      tpu.yield
    }) : () -> ()
    %dma_start3A_20 = arith.constant 0 : i32
    %dma_start3A_21 = tpu.memref_slice %arg6[%dma_start3A_20] : memref<256xi32, #tpu.memory_space<vmem>> -> memref<8xi32, #tpu.memory_space<vmem>>
    %dma_start3A_22 = arith.constant 0 : i32
    %dma_start3A_23 = arith.constant 0 : i32
    %dma_start3A_24 = tpu.memref_slice %arg3[%dma_start3A_22, %dma_start3A_23] : memref<8192x1024xf32, #tpu.memory_space<hbm>> -> memref<8192x1024xf32, #tpu.memory_space<hbm>>
    tpu.enqueue_indirect_dma source(%dma_start3A_24 : memref<8192x1024xf32, #tpu.memory_space<hbm>>) target(%arg11 : memref<8x1024xf32, #tpu.memory_space<vmem>>) offsets(%dma_start3A_21 : memref<8xi32, #tpu.memory_space<vmem>>) semaphore(%arg19 : memref<!tpu.dma_semaphore, #tpu.memory_space<semaphore_mem>>)
    %dma_start3A_25 = arith.constant 8 : i32
    %dma_start3A_26 = tpu.memref_slice %arg6[%dma_start3A_25] : memref<256xi32, #tpu.memory_space<vmem>> -> memref<8xi32, #tpu.memory_space<vmem>>
    %dma_start3A_27 = arith.constant 0 : i32
    %dma_start3A_28 = arith.constant 0 : i32
    %dma_start3A_29 = tpu.memref_slice %arg3[%dma_start3A_27, %dma_start3A_28] : memref<8192x1024xf32, #tpu.memory_space<hbm>> -> memref<8192x1024xf32, #tpu.memory_space<hbm>>
    tpu.enqueue_indirect_dma source(%dma_start3A_29 : memref<8192x1024xf32, #tpu.memory_space<hbm>>) target(%arg12 : memref<8x1024xf32, #tpu.memory_space<vmem>>) offsets(%dma_start3A_26 : memref<8xi32, #tpu.memory_space<vmem>>) semaphore(%arg20 : memref<!tpu.dma_semaphore, #tpu.memory_space<semaphore_mem>>)
    %dma_start3A_30 = arith.constant 16 : i32
    %dma_start3A_31 = tpu.memref_slice %arg6[%dma_start3A_30] : memref<256xi32, #tpu.memory_space<vmem>> -> memref<8xi32, #tpu.memory_space<vmem>>
    %dma_start3A_32 = arith.constant 0 : i32
    %dma_start3A_33 = arith.constant 0 : i32
    %dma_start3A_34 = tpu.memref_slice %arg3[%dma_start3A_32, %dma_start3A_33] : memref<8192x1024xf32, #tpu.memory_space<hbm>> -> memref<8192x1024xf32, #tpu.memory_space<hbm>>
    tpu.enqueue_indirect_dma source(%dma_start3A_34 : memref<8192x1024xf32, #tpu.memory_space<hbm>>) target(%arg13 : memref<8x1024xf32, #tpu.memory_space<vmem>>) offsets(%dma_start3A_31 : memref<8xi32, #tpu.memory_space<vmem>>) semaphore(%arg21 : memref<!tpu.dma_semaphore, #tpu.memory_space<semaphore_mem>>)
    %scan3A = arith.constant 0 : i32
    %scan3A_35 = arith.constant 8 : i32
    %scan3A_36 = arith.addi %scan3A, %scan3A_35 : i32
    %scan3A_37 = arith.constant 1 : i32
    scf.for %scan3A_44 = %scan3A to %scan3A_36 step %scan3A_37  : i32 {
      %mul3A_45 = arith.constant 4 : i32
      %mul3A_46 = arith.muli %scan3A_44, %mul3A_45 : i32
      %add3A_47 = arith.constant 0 : i32
      %add3A_48 = arith.addi %add3A_47, %mul3A_46 : i32
      %add3A_49 = arith.constant 0 : i32
      %add3A_50 = arith.addi %add3A_48, %add3A_49 : i32
      %ge3A = arith.constant 1 : i32
      %ge3A_51 = arith.cmpi sge, %add3A_48, %ge3A : i32
      %convert_element_type3A = arith.extui %ge3A_51 : i1 to i32
      %cond3A = arith.constant 0 : i32
      %cond3A_52 = arith.cmpi ne, %convert_element_type3A, %cond3A : i32
      scf.if %cond3A_52 {
        %dma_wait3A_203 = arith.constant 0 : i32
        %dma_wait3A_204 = arith.constant 0 : i32
        %dma_wait3A_205 = tpu.memref_slice %arg5[%dma_wait3A_203, %dma_wait3A_204] : memref<8192x1024xf32, #tpu.memory_space<hbm>> -> memref<8x1024xf32, #tpu.memory_space<hbm>>
        %dma_wait3A_206 = arith.constant 0 : i32
        %dma_wait3A_207 = arith.constant 0 : i32
        %dma_wait3A_208 = tpu.memref_slice %arg5[%dma_wait3A_206, %dma_wait3A_207] : memref<8192x1024xf32, #tpu.memory_space<hbm>> -> memref<8x1024xf32, #tpu.memory_space<hbm>>
        tpu.wait_dma2 semaphore(%arg26 : memref<!tpu.dma_semaphore, #tpu.memory_space<semaphore_mem>>) src(%arg10 : memref<8x1024xf32, #tpu.memory_space<vmem>>) dst(%dma_wait3A_208 : memref<8x1024xf32, #tpu.memory_space<hbm>>)
      } else {
      }
      %add3A_53 = arith.constant 4 : i32
      %add3A_54 = arith.addi %add3A_50, %add3A_53 : i32
      %sub3A = arith.constant 1 : i32
      %sub3A_55 = arith.subi %add3A_54, %sub3A : i32
      %lt3A = arith.constant 32 : i32
      %lt3A_56 = arith.cmpi slt, %sub3A_55, %lt3A : i32
      %convert_element_type3A_57 = arith.extui %lt3A_56 : i1 to i32
      %cond3A_58 = arith.constant 0 : i32
      %cond3A_59 = arith.cmpi ne, %convert_element_type3A_57, %cond3A_58 : i32
      scf.if %cond3A_59 {
        %add3A_203 = arith.constant 4 : i32
        %add3A_204 = arith.addi %add3A_50, %add3A_203 : i32
        %sub3A_205 = arith.constant 1 : i32
        %sub3A_206 = arith.subi %add3A_204, %sub3A_205 : i32
        %mul3A_207 = arith.constant 8 : i32
        %mul3A_208 = arith.muli %sub3A_206, %mul3A_207 : i32
        %add3A_209 = arith.addi %mul3A_2, %mul3A_208 : i32
        %dma_start3A_210 = arith.constant 0 : i32
        %dma_start3A_211 = tpu.memref_slice %arg2[%add3A_209, %dma_start3A_210] : memref<8192x1024xf32, #tpu.memory_space<hbm>> -> memref<8x1024xf32, #tpu.memory_space<hbm>>
        %dma_start3A_212 = arith.constant 0 : i32
        %dma_start3A_213 = tpu.memref_slice %arg2[%add3A_209, %dma_start3A_212] : memref<8192x1024xf32, #tpu.memory_space<hbm>> -> memref<8x1024xf32, #tpu.memory_space<hbm>>
        tpu.enqueue_dma source(%dma_start3A_213 : memref<8x1024xf32, #tpu.memory_space<hbm>>) target(%arg10 : memref<8x1024xf32, #tpu.memory_space<vmem>>) target_semaphore(%arg18 : memref<!tpu.dma_semaphore, #tpu.memory_space<semaphore_mem>>)
        %mul3A_214 = arith.constant 8 : i32
        %mul3A_215 = arith.muli %sub3A_206, %mul3A_214 : i32
        %dma_start3A_216 = tpu.memref_slice %arg6[%mul3A_215] : memref<256xi32, #tpu.memory_space<vmem>> -> memref<8xi32, #tpu.memory_space<vmem>>
        %dma_start3A_217 = arith.constant 0 : i32
        %dma_start3A_218 = arith.constant 0 : i32
        %dma_start3A_219 = tpu.memref_slice %arg3[%dma_start3A_217, %dma_start3A_218] : memref<8192x1024xf32, #tpu.memory_space<hbm>> -> memref<8192x1024xf32, #tpu.memory_space<hbm>>
        tpu.enqueue_indirect_dma source(%dma_start3A_219 : memref<8192x1024xf32, #tpu.memory_space<hbm>>) target(%arg14 : memref<8x1024xf32, #tpu.memory_space<vmem>>) offsets(%dma_start3A_216 : memref<8xi32, #tpu.memory_space<vmem>>) semaphore(%arg22 : memref<!tpu.dma_semaphore, #tpu.memory_space<semaphore_mem>>)
      } else {
      }
      %dma_wait3A_60 = arith.constant 0 : i32
      %dma_wait3A_61 = arith.constant 0 : i32
      %dma_wait3A_62 = tpu.memref_slice %arg2[%dma_wait3A_60, %dma_wait3A_61] : memref<8192x1024xf32, #tpu.memory_space<hbm>> -> memref<8x1024xf32, #tpu.memory_space<hbm>>
      %dma_wait3A_63 = arith.constant 0 : i32
      %dma_wait3A_64 = arith.constant 0 : i32
      %dma_wait3A_65 = tpu.memref_slice %arg2[%dma_wait3A_63, %dma_wait3A_64] : memref<8192x1024xf32, #tpu.memory_space<hbm>> -> memref<8x1024xf32, #tpu.memory_space<hbm>>
      tpu.wait_dma2 semaphore(%arg15 : memref<!tpu.dma_semaphore, #tpu.memory_space<semaphore_mem>>) src(%dma_wait3A_65 : memref<8x1024xf32, #tpu.memory_space<hbm>>) dst(%arg7 : memref<8x1024xf32, #tpu.memory_space<vmem>>)
      %dma_wait3A_66 = arith.constant 0 : i32
      %dma_wait3A_67 = tpu.memref_slice %arg6[%dma_wait3A_66] : memref<256xi32, #tpu.memory_space<vmem>> -> memref<8xi32, #tpu.memory_space<vmem>>
      %dma_wait3A_68 = arith.constant 0 : i32
      %dma_wait3A_69 = arith.constant 0 : i32
      %dma_wait3A_70 = tpu.memref_slice %arg3[%dma_wait3A_68, %dma_wait3A_69] : memref<8192x1024xf32, #tpu.memory_space<hbm>> -> memref<8192x1024xf32, #tpu.memory_space<hbm>>
      tpu.wait_indirect_dma semaphore(%arg19 : memref<!tpu.dma_semaphore, #tpu.memory_space<semaphore_mem>>) src(%dma_wait3A_70 : memref<8192x1024xf32, #tpu.memory_space<hbm>>) dst(%arg11 : memref<8x1024xf32, #tpu.memory_space<vmem>>)
      %scan3A_71 = arith.constant 0 : i32
      %scan3A_72 = arith.constant 8 : i32
      %scan3A_73 = arith.addi %scan3A_71, %scan3A_72 : i32
      %scan3A_74 = arith.constant 1 : i32
      scf.for %scan3A_203 = %scan3A_71 to %scan3A_73 step %scan3A_74  : i32 {
        %mul3A_204 = arith.constant 1 : i32
        %mul3A_205 = arith.muli %scan3A_203, %mul3A_204 : i32
        %add3A_206 = arith.constant 0 : i32
        %add3A_207 = arith.addi %add3A_206, %mul3A_205 : i32
        %scan3A_208 = arith.constant 0 : i32
        %scan3A_209 = arith.constant 64 : i32
        %scan3A_210 = arith.addi %scan3A_208, %scan3A_209 : i32
        %scan3A_211 = arith.constant 8 : i32
        scf.for %scan3A_213 = %scan3A_208 to %scan3A_210 step %scan3A_211  : i32 {
          %mul3A_214 = arith.constant 1 : i32
          %mul3A_215 = arith.muli %scan3A_213, %mul3A_214 : i32
          %add3A_216 = arith.constant 0 : i32
          %add3A_217 = arith.addi %add3A_216, %mul3A_215 : i32
          %mul3A_218 = arith.constant 16 : i32
          %mul3A_219 = arith.muli %add3A_217, %mul3A_218 : i32
          %get3A = arith.index_cast %add3A_207 : i32 to index
          %get3A_220 = arith.index_cast %mul3A_219 : i32 to index
          %get3A_221 = tpu.vector_load %arg11[%get3A, %get3A_220] {strides = array<i32>} : memref<8x1024xf32, #tpu.memory_space<vmem>>, vector<1x16xf32>,
          %get3A_222 = vector.shape_cast %get3A_221 : vector<1x16xf32> to vector<16xf32>
          %swap3A = arith.index_cast %add3A_207 : i32 to index
          %swap3A_223 = arith.index_cast %mul3A_219 : i32 to index
          %swap3A_224 = tpu.vector_load %arg7[%swap3A, %swap3A_223] {strides = array<i32>} : memref<8x1024xf32, #tpu.memory_space<vmem>>, vector<1x16xf32>,
          %swap3A_225 = vector.shape_cast %swap3A_224 : vector<1x16xf32> to vector<16xf32>
          %swap3A_226 = vector.shape_cast %get3A_222 : vector<16xf32> to vector<1x16xf32>
          tpu.vector_store %arg7[%swap3A, %swap3A_223], %swap3A_226 {add = true, strides = array<i32>} : memref<8x1024xf32, #tpu.memory_space<vmem>>, vector<1x16xf32>,
          %scan3A_227 = arith.constant 1 : i32
          %scan3A_228 = arith.addi %scan3A_213, %scan3A_227 : i32
          %mul3A_229 = arith.constant 1 : i32
          %mul3A_230 = arith.muli %scan3A_228, %mul3A_229 : i32
          %add3A_231 = arith.constant 0 : i32
          %add3A_232 = arith.addi %add3A_231, %mul3A_230 : i32
          %mul3A_233 = arith.constant 16 : i32
          %mul3A_234 = arith.muli %add3A_232, %mul3A_233 : i32
          %get3A_235 = arith.index_cast %add3A_207 : i32 to index
          %get3A_236 = arith.index_cast %mul3A_234 : i32 to index
          %get3A_237 = tpu.vector_load %arg11[%get3A_235, %get3A_236] {strides = array<i32>} : memref<8x1024xf32, #tpu.memory_space<vmem>>, vector<1x16xf32>,
          %get3A_238 = vector.shape_cast %get3A_237 : vector<1x16xf32> to vector<16xf32>
          %swap3A_239 = arith.index_cast %add3A_207 : i32 to index
          %swap3A_240 = arith.index_cast %mul3A_234 : i32 to index
          %swap3A_241 = tpu.vector_load %arg7[%swap3A_239, %swap3A_240] {strides = array<i32>} : memref<8x1024xf32, #tpu.memory_space<vmem>>, vector<1x16xf32>,
          %swap3A_242 = vector.shape_cast %swap3A_241 : vector<1x16xf32> to vector<16xf32>
          %swap3A_243 = vector.shape_cast %get3A_238 : vector<16xf32> to vector<1x16xf32>
          tpu.vector_store %arg7[%swap3A_239, %swap3A_240], %swap3A_243 {add = true, strides = array<i32>} : memref<8x1024xf32, #tpu.memory_space<vmem>>, vector<1x16xf32>,
          %scan3A_244 = arith.constant 2 : i32
          %scan3A_245 = arith.addi %scan3A_213, %scan3A_244 : i32
          %mul3A_246 = arith.constant 1 : i32
          %mul3A_247 = arith.muli %scan3A_245, %mul3A_246 : i32
          %add3A_248 = arith.constant 0 : i32
          %add3A_249 = arith.addi %add3A_248, %mul3A_247 : i32
          %mul3A_250 = arith.constant 16 : i32
          %mul3A_251 = arith.muli %add3A_249, %mul3A_250 : i32
          %get3A_252 = arith.index_cast %add3A_207 : i32 to index
          %get3A_253 = arith.index_cast %mul3A_251 : i32 to index
          %get3A_254 = tpu.vector_load %arg11[%get3A_252, %get3A_253] {strides = array<i32>} : memref<8x1024xf32, #tpu.memory_space<vmem>>, vector<1x16xf32>,
          %get3A_255 = vector.shape_cast %get3A_254 : vector<1x16xf32> to vector<16xf32>
          %swap3A_256 = arith.index_cast %add3A_207 : i32 to index
          %swap3A_257 = arith.index_cast %mul3A_251 : i32 to index
          %swap3A_258 = tpu.vector_load %arg7[%swap3A_256, %swap3A_257] {strides = array<i32>} : memref<8x1024xf32, #tpu.memory_space<vmem>>, vector<1x16xf32>,
          %swap3A_259 = vector.shape_cast %swap3A_258 : vector<1x16xf32> to vector<16xf32>
          %swap3A_260 = vector.shape_cast %get3A_255 : vector<16xf32> to vector<1x16xf32>
          tpu.vector_store %arg7[%swap3A_256, %swap3A_257], %swap3A_260 {add = true, strides = array<i32>} : memref<8x1024xf32, #tpu.memory_space<vmem>>, vector<1x16xf32>,
          %scan3A_261 = arith.constant 3 : i32
          %scan3A_262 = arith.addi %scan3A_213, %scan3A_261 : i32
          %mul3A_263 = arith.constant 1 : i32
          %mul3A_264 = arith.muli %scan3A_262, %mul3A_263 : i32
          %add3A_265 = arith.constant 0 : i32
          %add3A_266 = arith.addi %add3A_265, %mul3A_264 : i32
          %mul3A_267 = arith.constant 16 : i32
          %mul3A_268 = arith.muli %add3A_266, %mul3A_267 : i32
          %get3A_269 = arith.index_cast %add3A_207 : i32 to index
          %get3A_270 = arith.index_cast %mul3A_268 : i32 to index
          %get3A_271 = tpu.vector_load %arg11[%get3A_269, %get3A_270] {strides = array<i32>} : memref<8x1024xf32, #tpu.memory_space<vmem>>, vector<1x16xf32>,
          %get3A_272 = vector.shape_cast %get3A_271 : vector<1x16xf32> to vector<16xf32>
          %swap3A_273 = arith.index_cast %add3A_207 : i32 to index
          %swap3A_274 = arith.index_cast %mul3A_268 : i32 to index
          %swap3A_275 = tpu.vector_load %arg7[%swap3A_273, %swap3A_274] {strides = array<i32>} : memref<8x1024xf32, #tpu.memory_space<vmem>>, vector<1x16xf32>,
          %swap3A_276 = vector.shape_cast %swap3A_275 : vector<1x16xf32> to vector<16xf32>
          %swap3A_277 = vector.shape_cast %get3A_272 : vector<16xf32> to vector<1x16xf32>
          tpu.vector_store %arg7[%swap3A_273, %swap3A_274], %swap3A_277 {add = true, strides = array<i32>} : memref<8x1024xf32, #tpu.memory_space<vmem>>, vector<1x16xf32>,
          %scan3A_278 = arith.constant 4 : i32
          %scan3A_279 = arith.addi %scan3A_213, %scan3A_278 : i32
          %mul3A_280 = arith.constant 1 : i32
          %mul3A_281 = arith.muli %scan3A_279, %mul3A_280 : i32
          %add3A_282 = arith.constant 0 : i32
          %add3A_283 = arith.addi %add3A_282, %mul3A_281 : i32
          %mul3A_284 = arith.constant 16 : i32
          %mul3A_285 = arith.muli %add3A_283, %mul3A_284 : i32
          %get3A_286 = arith.index_cast %add3A_207 : i32 to index
          %get3A_287 = arith.index_cast %mul3A_285 : i32 to index
          %get3A_288 = tpu.vector_load %arg11[%get3A_286, %get3A_287] {strides = array<i32>} : memref<8x1024xf32, #tpu.memory_space<vmem>>, vector<1x16xf32>,
          %get3A_289 = vector.shape_cast %get3A_288 : vector<1x16xf32> to vector<16xf32>
          %swap3A_290 = arith.index_cast %add3A_207 : i32 to index
          %swap3A_291 = arith.index_cast %mul3A_285 : i32 to index
          %swap3A_292 = tpu.vector_load %arg7[%swap3A_290, %swap3A_291] {strides = array<i32>} : memref<8x1024xf32, #tpu.memory_space<vmem>>, vector<1x16xf32>,
          %swap3A_293 = vector.shape_cast %swap3A_292 : vector<1x16xf32> to vector<16xf32>
          %swap3A_294 = vector.shape_cast %get3A_289 : vector<16xf32> to vector<1x16xf32>
          tpu.vector_store %arg7[%swap3A_290, %swap3A_291], %swap3A_294 {add = true, strides = array<i32>} : memref<8x1024xf32, #tpu.memory_space<vmem>>, vector<1x16xf32>,
          %scan3A_295 = arith.constant 5 : i32
          %scan3A_296 = arith.addi %scan3A_213, %scan3A_295 : i32
          %mul3A_297 = arith.constant 1 : i32
          %mul3A_298 = arith.muli %scan3A_296, %mul3A_297 : i32
          %add3A_299 = arith.constant 0 : i32
          %add3A_300 = arith.addi %add3A_299, %mul3A_298 : i32
          %mul3A_301 = arith.constant 16 : i32
          %mul3A_302 = arith.muli %add3A_300, %mul3A_301 : i32
          %get3A_303 = arith.index_cast %add3A_207 : i32 to index
          %get3A_304 = arith.index_cast %mul3A_302 : i32 to index
          %get3A_305 = tpu.vector_load %arg11[%get3A_303, %get3A_304] {strides = array<i32>} : memref<8x1024xf32, #tpu.memory_space<vmem>>, vector<1x16xf32>,
          %get3A_306 = vector.shape_cast %get3A_305 : vector<1x16xf32> to vector<16xf32>
          %swap3A_307 = arith.index_cast %add3A_207 : i32 to index
          %swap3A_308 = arith.index_cast %mul3A_302 : i32 to index
          %swap3A_309 = tpu.vector_load %arg7[%swap3A_307, %swap3A_308] {strides = array<i32>} : memref<8x1024xf32, #tpu.memory_space<vmem>>, vector<1x16xf32>,
          %swap3A_310 = vector.shape_cast %swap3A_309 : vector<1x16xf32> to vector<16xf32>
          %swap3A_311 = vector.shape_cast %get3A_306 : vector<16xf32> to vector<1x16xf32>
          tpu.vector_store %arg7[%swap3A_307, %swap3A_308], %swap3A_311 {add = true, strides = array<i32>} : memref<8x1024xf32, #tpu.memory_space<vmem>>, vector<1x16xf32>,
          %scan3A_312 = arith.constant 6 : i32
          %scan3A_313 = arith.addi %scan3A_213, %scan3A_312 : i32
          %mul3A_314 = arith.constant 1 : i32
          %mul3A_315 = arith.muli %scan3A_313, %mul3A_314 : i32
          %add3A_316 = arith.constant 0 : i32
          %add3A_317 = arith.addi %add3A_316, %mul3A_315 : i32
          %mul3A_318 = arith.constant 16 : i32
          %mul3A_319 = arith.muli %add3A_317, %mul3A_318 : i32
          %get3A_320 = arith.index_cast %add3A_207 : i32 to index
          %get3A_321 = arith.index_cast %mul3A_319 : i32 to index
          %get3A_322 = tpu.vector_load %arg11[%get3A_320, %get3A_321] {strides = array<i32>} : memref<8x1024xf32, #tpu.memory_space<vmem>>, vector<1x16xf32>,
          %get3A_323 = vector.shape_cast %get3A_322 : vector<1x16xf32> to vector<16xf32>
          %swap3A_324 = arith.index_cast %add3A_207 : i32 to index
          %swap3A_325 = arith.index_cast %mul3A_319 : i32 to index
          %swap3A_326 = tpu.vector_load %arg7[%swap3A_324, %swap3A_325] {strides = array<i32>} : memref<8x1024xf32, #tpu.memory_space<vmem>>, vector<1x16xf32>,
          %swap3A_327 = vector.shape_cast %swap3A_326 : vector<1x16xf32> to vector<16xf32>
          %swap3A_328 = vector.shape_cast %get3A_323 : vector<16xf32> to vector<1x16xf32>
          tpu.vector_store %arg7[%swap3A_324, %swap3A_325], %swap3A_328 {add = true, strides = array<i32>} : memref<8x1024xf32, #tpu.memory_space<vmem>>, vector<1x16xf32>,
          %scan3A_329 = arith.constant 7 : i32
          %scan3A_330 = arith.addi %scan3A_213, %scan3A_329 : i32
          %mul3A_331 = arith.constant 1 : i32
          %mul3A_332 = arith.muli %scan3A_330, %mul3A_331 : i32
          %add3A_333 = arith.constant 0 : i32
          %add3A_334 = arith.addi %add3A_333, %mul3A_332 : i32
          %mul3A_335 = arith.constant 16 : i32
          %mul3A_336 = arith.muli %add3A_334, %mul3A_335 : i32
          %get3A_337 = arith.index_cast %add3A_207 : i32 to index
          %get3A_338 = arith.index_cast %mul3A_336 : i32 to index
          %get3A_339 = tpu.vector_load %arg11[%get3A_337, %get3A_338] {strides = array<i32>} : memref<8x1024xf32, #tpu.memory_space<vmem>>, vector<1x16xf32>,
          %get3A_340 = vector.shape_cast %get3A_339 : vector<1x16xf32> to vector<16xf32>
          %swap3A_341 = arith.index_cast %add3A_207 : i32 to index
          %swap3A_342 = arith.index_cast %mul3A_336 : i32 to index
          %swap3A_343 = tpu.vector_load %arg7[%swap3A_341, %swap3A_342] {strides = array<i32>} : memref<8x1024xf32, #tpu.memory_space<vmem>>, vector<1x16xf32>,
          %swap3A_344 = vector.shape_cast %swap3A_343 : vector<1x16xf32> to vector<16xf32>
          %swap3A_345 = vector.shape_cast %get3A_340 : vector<16xf32> to vector<1x16xf32>
          tpu.vector_store %arg7[%swap3A_341, %swap3A_342], %swap3A_345 {add = true, strides = array<i32>} : memref<8x1024xf32, #tpu.memory_space<vmem>>, vector<1x16xf32>,
        }
        %scan3A_212 = arith.constant 64 : i32
      }
      %scan3A_75 = arith.constant 8 : i32
      %mul3A_76 = arith.constant 8 : i32
      %mul3A_77 = arith.muli %add3A_50, %mul3A_76 : i32
      %add3A_78 = arith.addi %mul3A_2, %mul3A_77 : i32
      %dma_start3A_79 = arith.constant 0 : i32
      %dma_start3A_80 = tpu.memref_slice %arg5[%add3A_78, %dma_start3A_79] : memref<8192x1024xf32, #tpu.memory_space<hbm>> -> memref<8x1024xf32, #tpu.memory_space<hbm>>
      %dma_start3A_81 = arith.constant 0 : i32
      %dma_start3A_82 = tpu.memref_slice %arg5[%add3A_78, %dma_start3A_81] : memref<8192x1024xf32, #tpu.memory_space<hbm>> -> memref<8x1024xf32, #tpu.memory_space<hbm>>
      tpu.enqueue_dma source(%arg7 : memref<8x1024xf32, #tpu.memory_space<vmem>>) target(%dma_start3A_82 : memref<8x1024xf32, #tpu.memory_space<hbm>>) target_semaphore(%arg23 : memref<!tpu.dma_semaphore, #tpu.memory_space<semaphore_mem>>)
      %add3A_83 = arith.constant 1 : i32
      %add3A_84 = arith.addi %add3A_48, %add3A_83 : i32
      %dma_wait3A_85 = arith.constant 0 : i32
      %dma_wait3A_86 = arith.constant 0 : i32
      %dma_wait3A_87 = tpu.memref_slice %arg5[%dma_wait3A_85, %dma_wait3A_86] : memref<8192x1024xf32, #tpu.memory_space<hbm>> -> memref<8x1024xf32, #tpu.memory_space<hbm>>
      %dma_wait3A_88 = arith.constant 0 : i32
      %dma_wait3A_89 = arith.constant 0 : i32
      %dma_wait3A_90 = tpu.memref_slice %arg5[%dma_wait3A_88, %dma_wait3A_89] : memref<8192x1024xf32, #tpu.memory_space<hbm>> -> memref<8x1024xf32, #tpu.memory_space<hbm>>
      tpu.wait_dma2 semaphore(%arg23 : memref<!tpu.dma_semaphore, #tpu.memory_space<semaphore_mem>>) src(%arg7 : memref<8x1024xf32, #tpu.memory_space<vmem>>) dst(%dma_wait3A_90 : memref<8x1024xf32, #tpu.memory_space<hbm>>)
      %add3A_91 = arith.constant 4 : i32
      %add3A_92 = arith.addi %add3A_84, %add3A_91 : i32
      %sub3A_93 = arith.constant 1 : i32
      %sub3A_94 = arith.subi %add3A_92, %sub3A_93 : i32
      %lt3A_95 = arith.constant 32 : i32
      %lt3A_96 = arith.cmpi slt, %sub3A_94, %lt3A_95 : i32
      %convert_element_type3A_97 = arith.extui %lt3A_96 : i1 to i32
      %cond3A_98 = arith.constant 0 : i32
      %cond3A_99 = arith.cmpi ne, %convert_element_type3A_97, %cond3A_98 : i32
      scf.if %cond3A_99 {
        %add3A_203 = arith.constant 4 : i32
        %add3A_204 = arith.addi %add3A_84, %add3A_203 : i32
        %sub3A_205 = arith.constant 1 : i32
        %sub3A_206 = arith.subi %add3A_204, %sub3A_205 : i32
        %mul3A_207 = arith.constant 8 : i32
        %mul3A_208 = arith.muli %sub3A_206, %mul3A_207 : i32
        %add3A_209 = arith.addi %mul3A_2, %mul3A_208 : i32
        %dma_start3A_210 = arith.constant 0 : i32
        %dma_start3A_211 = tpu.memref_slice %arg2[%add3A_209, %dma_start3A_210] : memref<8192x1024xf32, #tpu.memory_space<hbm>> -> memref<8x1024xf32, #tpu.memory_space<hbm>>
        %dma_start3A_212 = arith.constant 0 : i32
        %dma_start3A_213 = tpu.memref_slice %arg2[%add3A_209, %dma_start3A_212] : memref<8192x1024xf32, #tpu.memory_space<hbm>> -> memref<8x1024xf32, #tpu.memory_space<hbm>>
        tpu.enqueue_dma source(%dma_start3A_213 : memref<8x1024xf32, #tpu.memory_space<hbm>>) target(%arg7 : memref<8x1024xf32, #tpu.memory_space<vmem>>) target_semaphore(%arg15 : memref<!tpu.dma_semaphore, #tpu.memory_space<semaphore_mem>>)
        %mul3A_214 = arith.constant 8 : i32
        %mul3A_215 = arith.muli %sub3A_206, %mul3A_214 : i32
        %dma_start3A_216 = tpu.memref_slice %arg6[%mul3A_215] : memref<256xi32, #tpu.memory_space<vmem>> -> memref<8xi32, #tpu.memory_space<vmem>>
        %dma_start3A_217 = arith.constant 0 : i32
        %dma_start3A_218 = arith.constant 0 : i32
        %dma_start3A_219 = tpu.memref_slice %arg3[%dma_start3A_217, %dma_start3A_218] : memref<8192x1024xf32, #tpu.memory_space<hbm>> -> memref<8192x1024xf32, #tpu.memory_space<hbm>>
        tpu.enqueue_indirect_dma source(%dma_start3A_219 : memref<8192x1024xf32, #tpu.memory_space<hbm>>) target(%arg11 : memref<8x1024xf32, #tpu.memory_space<vmem>>) offsets(%dma_start3A_216 : memref<8xi32, #tpu.memory_space<vmem>>) semaphore(%arg19 : memref<!tpu.dma_semaphore, #tpu.memory_space<semaphore_mem>>)
      } else {
      }
      %dma_wait3A_100 = arith.constant 0 : i32
      %dma_wait3A_101 = arith.constant 0 : i32
      %dma_wait3A_102 = tpu.memref_slice %arg2[%dma_wait3A_100, %dma_wait3A_101] : memref<8192x1024xf32, #tpu.memory_space<hbm>> -> memref<8x1024xf32, #tpu.memory_space<hbm>>
      %dma_wait3A_103 = arith.constant 0 : i32
      %dma_wait3A_104 = arith.constant 0 : i32
      %dma_wait3A_105 = tpu.memref_slice %arg2[%dma_wait3A_103, %dma_wait3A_104] : memref<8192x1024xf32, #tpu.memory_space<hbm>> -> memref<8x1024xf32, #tpu.memory_space<hbm>>
      tpu.wait_dma2 semaphore(%arg16 : memref<!tpu.dma_semaphore, #tpu.memory_space<semaphore_mem>>) src(%dma_wait3A_105 : memref<8x1024xf32, #tpu.memory_space<hbm>>) dst(%arg8 : memref<8x1024xf32, #tpu.memory_space<vmem>>)
      %dma_wait3A_106 = arith.constant 0 : i32
      %dma_wait3A_107 = tpu.memref_slice %arg6[%dma_wait3A_106] : memref<256xi32, #tpu.memory_space<vmem>> -> memref<8xi32, #tpu.memory_space<vmem>>
      %dma_wait3A_108 = arith.constant 0 : i32
      %dma_wait3A_109 = arith.constant 0 : i32
      %dma_wait3A_110 = tpu.memref_slice %arg3[%dma_wait3A_108, %dma_wait3A_109] : memref<8192x1024xf32, #tpu.memory_space<hbm>> -> memref<8192x1024xf32, #tpu.memory_space<hbm>>
      tpu.wait_indirect_dma semaphore(%arg20 : memref<!tpu.dma_semaphore, #tpu.memory_space<semaphore_mem>>) src(%dma_wait3A_110 : memref<8192x1024xf32, #tpu.memory_space<hbm>>) dst(%arg12 : memref<8x1024xf32, #tpu.memory_space<vmem>>)
      %scan3A_111 = arith.constant 0 : i32
      %scan3A_112 = arith.constant 8 : i32
      %scan3A_113 = arith.addi %scan3A_111, %scan3A_112 : i32
      %scan3A_114 = arith.constant 1 : i32
      scf.for %scan3A_203 = %scan3A_111 to %scan3A_113 step %scan3A_114  : i32 {
        %mul3A_204 = arith.constant 1 : i32
        %mul3A_205 = arith.muli %scan3A_203, %mul3A_204 : i32
        %add3A_206 = arith.constant 0 : i32
        %add3A_207 = arith.addi %add3A_206, %mul3A_205 : i32
        %scan3A_208 = arith.constant 0 : i32
        %scan3A_209 = arith.constant 64 : i32
        %scan3A_210 = arith.addi %scan3A_208, %scan3A_209 : i32
        %scan3A_211 = arith.constant 8 : i32
        scf.for %scan3A_213 = %scan3A_208 to %scan3A_210 step %scan3A_211  : i32 {
          %mul3A_214 = arith.constant 1 : i32
          %mul3A_215 = arith.muli %scan3A_213, %mul3A_214 : i32
          %add3A_216 = arith.constant 0 : i32
          %add3A_217 = arith.addi %add3A_216, %mul3A_215 : i32
          %mul3A_218 = arith.constant 16 : i32
          %mul3A_219 = arith.muli %add3A_217, %mul3A_218 : i32
          %get3A = arith.index_cast %add3A_207 : i32 to index
          %get3A_220 = arith.index_cast %mul3A_219 : i32 to index
          %get3A_221 = tpu.vector_load %arg12[%get3A, %get3A_220] {strides = array<i32>} : memref<8x1024xf32, #tpu.memory_space<vmem>>, vector<1x16xf32>,
          %get3A_222 = vector.shape_cast %get3A_221 : vector<1x16xf32> to vector<16xf32>
          %swap3A = arith.index_cast %add3A_207 : i32 to index
          %swap3A_223 = arith.index_cast %mul3A_219 : i32 to index
          %swap3A_224 = tpu.vector_load %arg8[%swap3A, %swap3A_223] {strides = array<i32>} : memref<8x1024xf32, #tpu.memory_space<vmem>>, vector<1x16xf32>,
          %swap3A_225 = vector.shape_cast %swap3A_224 : vector<1x16xf32> to vector<16xf32>
          %swap3A_226 = vector.shape_cast %get3A_222 : vector<16xf32> to vector<1x16xf32>
          tpu.vector_store %arg8[%swap3A, %swap3A_223], %swap3A_226 {add = true, strides = array<i32>} : memref<8x1024xf32, #tpu.memory_space<vmem>>, vector<1x16xf32>,
          %scan3A_227 = arith.constant 1 : i32
          %scan3A_228 = arith.addi %scan3A_213, %scan3A_227 : i32
          %mul3A_229 = arith.constant 1 : i32
          %mul3A_230 = arith.muli %scan3A_228, %mul3A_229 : i32
          %add3A_231 = arith.constant 0 : i32
          %add3A_232 = arith.addi %add3A_231, %mul3A_230 : i32
          %mul3A_233 = arith.constant 16 : i32
          %mul3A_234 = arith.muli %add3A_232, %mul3A_233 : i32
          %get3A_235 = arith.index_cast %add3A_207 : i32 to index
          %get3A_236 = arith.index_cast %mul3A_234 : i32 to index
          %get3A_237 = tpu.vector_load %arg12[%get3A_235, %get3A_236] {strides = array<i32>} : memref<8x1024xf32, #tpu.memory_space<vmem>>, vector<1x16xf32>,
          %get3A_238 = vector.shape_cast %get3A_237 : vector<1x16xf32> to vector<16xf32>
          %swap3A_239 = arith.index_cast %add3A_207 : i32 to index
          %swap3A_240 = arith.index_cast %mul3A_234 : i32 to index
          %swap3A_241 = tpu.vector_load %arg8[%swap3A_239, %swap3A_240] {strides = array<i32>} : memref<8x1024xf32, #tpu.memory_space<vmem>>, vector<1x16xf32>,
          %swap3A_242 = vector.shape_cast %swap3A_241 : vector<1x16xf32> to vector<16xf32>
          %swap3A_243 = vector.shape_cast %get3A_238 : vector<16xf32> to vector<1x16xf32>
          tpu.vector_store %arg8[%swap3A_239, %swap3A_240], %swap3A_243 {add = true, strides = array<i32>} : memref<8x1024xf32, #tpu.memory_space<vmem>>, vector<1x16xf32>,
          %scan3A_244 = arith.constant 2 : i32
          %scan3A_245 = arith.addi %scan3A_213, %scan3A_244 : i32
          %mul3A_246 = arith.constant 1 : i32
          %mul3A_247 = arith.muli %scan3A_245, %mul3A_246 : i32
          %add3A_248 = arith.constant 0 : i32
          %add3A_249 = arith.addi %add3A_248, %mul3A_247 : i32
          %mul3A_250 = arith.constant 16 : i32
          %mul3A_251 = arith.muli %add3A_249, %mul3A_250 : i32
          %get3A_252 = arith.index_cast %add3A_207 : i32 to index
          %get3A_253 = arith.index_cast %mul3A_251 : i32 to index
          %get3A_254 = tpu.vector_load %arg12[%get3A_252, %get3A_253] {strides = array<i32>} : memref<8x1024xf32, #tpu.memory_space<vmem>>, vector<1x16xf32>,
          %get3A_255 = vector.shape_cast %get3A_254 : vector<1x16xf32> to vector<16xf32>
          %swap3A_256 = arith.index_cast %add3A_207 : i32 to index
          %swap3A_257 = arith.index_cast %mul3A_251 : i32 to index
          %swap3A_258 = tpu.vector_load %arg8[%swap3A_256, %swap3A_257] {strides = array<i32>} : memref<8x1024xf32, #tpu.memory_space<vmem>>, vector<1x16xf32>,
          %swap3A_259 = vector.shape_cast %swap3A_258 : vector<1x16xf32> to vector<16xf32>
          %swap3A_260 = vector.shape_cast %get3A_255 : vector<16xf32> to vector<1x16xf32>
          tpu.vector_store %arg8[%swap3A_256, %swap3A_257], %swap3A_260 {add = true, strides = array<i32>} : memref<8x1024xf32, #tpu.memory_space<vmem>>, vector<1x16xf32>,
          %scan3A_261 = arith.constant 3 : i32
          %scan3A_262 = arith.addi %scan3A_213, %scan3A_261 : i32
          %mul3A_263 = arith.constant 1 : i32
          %mul3A_264 = arith.muli %scan3A_262, %mul3A_263 : i32
          %add3A_265 = arith.constant 0 : i32
          %add3A_266 = arith.addi %add3A_265, %mul3A_264 : i32
          %mul3A_267 = arith.constant 16 : i32
          %mul3A_268 = arith.muli %add3A_266, %mul3A_267 : i32
          %get3A_269 = arith.index_cast %add3A_207 : i32 to index
          %get3A_270 = arith.index_cast %mul3A_268 : i32 to index
          %get3A_271 = tpu.vector_load %arg12[%get3A_269, %get3A_270] {strides = array<i32>} : memref<8x1024xf32, #tpu.memory_space<vmem>>, vector<1x16xf32>,
          %get3A_272 = vector.shape_cast %get3A_271 : vector<1x16xf32> to vector<16xf32>
          %swap3A_273 = arith.index_cast %add3A_207 : i32 to index
          %swap3A_274 = arith.index_cast %mul3A_268 : i32 to index
          %swap3A_275 = tpu.vector_load %arg8[%swap3A_273, %swap3A_274] {strides = array<i32>} : memref<8x1024xf32, #tpu.memory_space<vmem>>, vector<1x16xf32>,
          %swap3A_276 = vector.shape_cast %swap3A_275 : vector<1x16xf32> to vector<16xf32>
          %swap3A_277 = vector.shape_cast %get3A_272 : vector<16xf32> to vector<1x16xf32>
          tpu.vector_store %arg8[%swap3A_273, %swap3A_274], %swap3A_277 {add = true, strides = array<i32>} : memref<8x1024xf32, #tpu.memory_space<vmem>>, vector<1x16xf32>,
          %scan3A_278 = arith.constant 4 : i32
          %scan3A_279 = arith.addi %scan3A_213, %scan3A_278 : i32
          %mul3A_280 = arith.constant 1 : i32
          %mul3A_281 = arith.muli %scan3A_279, %mul3A_280 : i32
          %add3A_282 = arith.constant 0 : i32
          %add3A_283 = arith.addi %add3A_282, %mul3A_281 : i32
          %mul3A_284 = arith.constant 16 : i32
          %mul3A_285 = arith.muli %add3A_283, %mul3A_284 : i32
          %get3A_286 = arith.index_cast %add3A_207 : i32 to index
          %get3A_287 = arith.index_cast %mul3A_285 : i32 to index
          %get3A_288 = tpu.vector_load %arg12[%get3A_286, %get3A_287] {strides = array<i32>} : memref<8x1024xf32, #tpu.memory_space<vmem>>, vector<1x16xf32>,
          %get3A_289 = vector.shape_cast %get3A_288 : vector<1x16xf32> to vector<16xf32>
          %swap3A_290 = arith.index_cast %add3A_207 : i32 to index
          %swap3A_291 = arith.index_cast %mul3A_285 : i32 to index
          %swap3A_292 = tpu.vector_load %arg8[%swap3A_290, %swap3A_291] {strides = array<i32>} : memref<8x1024xf32, #tpu.memory_space<vmem>>, vector<1x16xf32>,
          %swap3A_293 = vector.shape_cast %swap3A_292 : vector<1x16xf32> to vector<16xf32>
          %swap3A_294 = vector.shape_cast %get3A_289 : vector<16xf32> to vector<1x16xf32>
          tpu.vector_store %arg8[%swap3A_290, %swap3A_291], %swap3A_294 {add = true, strides = array<i32>} : memref<8x1024xf32, #tpu.memory_space<vmem>>, vector<1x16xf32>,
          %scan3A_295 = arith.constant 5 : i32
          %scan3A_296 = arith.addi %scan3A_213, %scan3A_295 : i32
          %mul3A_297 = arith.constant 1 : i32
          %mul3A_298 = arith.muli %scan3A_296, %mul3A_297 : i32
          %add3A_299 = arith.constant 0 : i32
          %add3A_300 = arith.addi %add3A_299, %mul3A_298 : i32
          %mul3A_301 = arith.constant 16 : i32
          %mul3A_302 = arith.muli %add3A_300, %mul3A_301 : i32
          %get3A_303 = arith.index_cast %add3A_207 : i32 to index
          %get3A_304 = arith.index_cast %mul3A_302 : i32 to index
          %get3A_305 = tpu.vector_load %arg12[%get3A_303, %get3A_304] {strides = array<i32>} : memref<8x1024xf32, #tpu.memory_space<vmem>>, vector<1x16xf32>,
          %get3A_306 = vector.shape_cast %get3A_305 : vector<1x16xf32> to vector<16xf32>
          %swap3A_307 = arith.index_cast %add3A_207 : i32 to index
          %swap3A_308 = arith.index_cast %mul3A_302 : i32 to index
          %swap3A_309 = tpu.vector_load %arg8[%swap3A_307, %swap3A_308] {strides = array<i32>} : memref<8x1024xf32, #tpu.memory_space<vmem>>, vector<1x16xf32>,
          %swap3A_310 = vector.shape_cast %swap3A_309 : vector<1x16xf32> to vector<16xf32>
          %swap3A_311 = vector.shape_cast %get3A_306 : vector<16xf32> to vector<1x16xf32>
          tpu.vector_store %arg8[%swap3A_307, %swap3A_308], %swap3A_311 {add = true, strides = array<i32>} : memref<8x1024xf32, #tpu.memory_space<vmem>>, vector<1x16xf32>,
          %scan3A_312 = arith.constant 6 : i32
          %scan3A_313 = arith.addi %scan3A_213, %scan3A_312 : i32
          %mul3A_314 = arith.constant 1 : i32
          %mul3A_315 = arith.muli %scan3A_313, %mul3A_314 : i32
          %add3A_316 = arith.constant 0 : i32
          %add3A_317 = arith.addi %add3A_316, %mul3A_315 : i32
          %mul3A_318 = arith.constant 16 : i32
          %mul3A_319 = arith.muli %add3A_317, %mul3A_318 : i32
          %get3A_320 = arith.index_cast %add3A_207 : i32 to index
          %get3A_321 = arith.index_cast %mul3A_319 : i32 to index
          %get3A_322 = tpu.vector_load %arg12[%get3A_320, %get3A_321] {strides = array<i32>} : memref<8x1024xf32, #tpu.memory_space<vmem>>, vector<1x16xf32>,
          %get3A_323 = vector.shape_cast %get3A_322 : vector<1x16xf32> to vector<16xf32>
          %swap3A_324 = arith.index_cast %add3A_207 : i32 to index
          %swap3A_325 = arith.index_cast %mul3A_319 : i32 to index
          %swap3A_326 = tpu.vector_load %arg8[%swap3A_324, %swap3A_325] {strides = array<i32>} : memref<8x1024xf32, #tpu.memory_space<vmem>>, vector<1x16xf32>,
          %swap3A_327 = vector.shape_cast %swap3A_326 : vector<1x16xf32> to vector<16xf32>
          %swap3A_328 = vector.shape_cast %get3A_323 : vector<16xf32> to vector<1x16xf32>
          tpu.vector_store %arg8[%swap3A_324, %swap3A_325], %swap3A_328 {add = true, strides = array<i32>} : memref<8x1024xf32, #tpu.memory_space<vmem>>, vector<1x16xf32>,
          %scan3A_329 = arith.constant 7 : i32
          %scan3A_330 = arith.addi %scan3A_213, %scan3A_329 : i32
          %mul3A_331 = arith.constant 1 : i32
          %mul3A_332 = arith.muli %scan3A_330, %mul3A_331 : i32
          %add3A_333 = arith.constant 0 : i32
          %add3A_334 = arith.addi %add3A_333, %mul3A_332 : i32
          %mul3A_335 = arith.constant 16 : i32
          %mul3A_336 = arith.muli %add3A_334, %mul3A_335 : i32
          %get3A_337 = arith.index_cast %add3A_207 : i32 to index
          %get3A_338 = arith.index_cast %mul3A_336 : i32 to index
          %get3A_339 = tpu.vector_load %arg12[%get3A_337, %get3A_338] {strides = array<i32>} : memref<8x1024xf32, #tpu.memory_space<vmem>>, vector<1x16xf32>,
          %get3A_340 = vector.shape_cast %get3A_339 : vector<1x16xf32> to vector<16xf32>
          %swap3A_341 = arith.index_cast %add3A_207 : i32 to index
          %swap3A_342 = arith.index_cast %mul3A_336 : i32 to index
          %swap3A_343 = tpu.vector_load %arg8[%swap3A_341, %swap3A_342] {strides = array<i32>} : memref<8x1024xf32, #tpu.memory_space<vmem>>, vector<1x16xf32>,
          %swap3A_344 = vector.shape_cast %swap3A_343 : vector<1x16xf32> to vector<16xf32>
          %swap3A_345 = vector.shape_cast %get3A_340 : vector<16xf32> to vector<1x16xf32>
          tpu.vector_store %arg8[%swap3A_341, %swap3A_342], %swap3A_345 {add = true, strides = array<i32>} : memref<8x1024xf32, #tpu.memory_space<vmem>>, vector<1x16xf32>,
        }
        %scan3A_212 = arith.constant 64 : i32
      }
      %scan3A_115 = arith.constant 8 : i32
      %mul3A_116 = arith.constant 8 : i32
      %mul3A_117 = arith.muli %add3A_84, %mul3A_116 : i32
      %add3A_118 = arith.addi %mul3A_2, %mul3A_117 : i32
      %dma_start3A_119 = arith.constant 0 : i32
      %dma_start3A_120 = tpu.memref_slice %arg5[%add3A_118, %dma_start3A_119] : memref<8192x1024xf32, #tpu.memory_space<hbm>> -> memref<8x1024xf32, #tpu.memory_space<hbm>>
      %dma_start3A_121 = arith.constant 0 : i32
      %dma_start3A_122 = tpu.memref_slice %arg5[%add3A_118, %dma_start3A_121] : memref<8192x1024xf32, #tpu.memory_space<hbm>> -> memref<8x1024xf32, #tpu.memory_space<hbm>>
      tpu.enqueue_dma source(%arg8 : memref<8x1024xf32, #tpu.memory_space<vmem>>) target(%dma_start3A_122 : memref<8x1024xf32, #tpu.memory_space<hbm>>) target_semaphore(%arg24 : memref<!tpu.dma_semaphore, #tpu.memory_space<semaphore_mem>>)
      %add3A_123 = arith.constant 2 : i32
      %add3A_124 = arith.addi %add3A_48, %add3A_123 : i32
      %dma_wait3A_125 = arith.constant 0 : i32
      %dma_wait3A_126 = arith.constant 0 : i32
      %dma_wait3A_127 = tpu.memref_slice %arg5[%dma_wait3A_125, %dma_wait3A_126] : memref<8192x1024xf32, #tpu.memory_space<hbm>> -> memref<8x1024xf32, #tpu.memory_space<hbm>>
      %dma_wait3A_128 = arith.constant 0 : i32
      %dma_wait3A_129 = arith.constant 0 : i32
      %dma_wait3A_130 = tpu.memref_slice %arg5[%dma_wait3A_128, %dma_wait3A_129] : memref<8192x1024xf32, #tpu.memory_space<hbm>> -> memref<8x1024xf32, #tpu.memory_space<hbm>>
      tpu.wait_dma2 semaphore(%arg24 : memref<!tpu.dma_semaphore, #tpu.memory_space<semaphore_mem>>) src(%arg8 : memref<8x1024xf32, #tpu.memory_space<vmem>>) dst(%dma_wait3A_130 : memref<8x1024xf32, #tpu.memory_space<hbm>>)
      %add3A_131 = arith.constant 4 : i32
      %add3A_132 = arith.addi %add3A_124, %add3A_131 : i32
      %sub3A_133 = arith.constant 1 : i32
      %sub3A_134 = arith.subi %add3A_132, %sub3A_133 : i32
      %lt3A_135 = arith.constant 32 : i32
      %lt3A_136 = arith.cmpi slt, %sub3A_134, %lt3A_135 : i32
      %convert_element_type3A_137 = arith.extui %lt3A_136 : i1 to i32
      %cond3A_138 = arith.constant 0 : i32
      %cond3A_139 = arith.cmpi ne, %convert_element_type3A_137, %cond3A_138 : i32
      scf.if %cond3A_139 {
        %add3A_203 = arith.constant 4 : i32
        %add3A_204 = arith.addi %add3A_124, %add3A_203 : i32
        %sub3A_205 = arith.constant 1 : i32
        %sub3A_206 = arith.subi %add3A_204, %sub3A_205 : i32
        %mul3A_207 = arith.constant 8 : i32
        %mul3A_208 = arith.muli %sub3A_206, %mul3A_207 : i32
        %add3A_209 = arith.addi %mul3A_2, %mul3A_208 : i32
        %dma_start3A_210 = arith.constant 0 : i32
        %dma_start3A_211 = tpu.memref_slice %arg2[%add3A_209, %dma_start3A_210] : memref<8192x1024xf32, #tpu.memory_space<hbm>> -> memref<8x1024xf32, #tpu.memory_space<hbm>>
        %dma_start3A_212 = arith.constant 0 : i32
        %dma_start3A_213 = tpu.memref_slice %arg2[%add3A_209, %dma_start3A_212] : memref<8192x1024xf32, #tpu.memory_space<hbm>> -> memref<8x1024xf32, #tpu.memory_space<hbm>>
        tpu.enqueue_dma source(%dma_start3A_213 : memref<8x1024xf32, #tpu.memory_space<hbm>>) target(%arg8 : memref<8x1024xf32, #tpu.memory_space<vmem>>) target_semaphore(%arg16 : memref<!tpu.dma_semaphore, #tpu.memory_space<semaphore_mem>>)
        %mul3A_214 = arith.constant 8 : i32
        %mul3A_215 = arith.muli %sub3A_206, %mul3A_214 : i32
        %dma_start3A_216 = tpu.memref_slice %arg6[%mul3A_215] : memref<256xi32, #tpu.memory_space<vmem>> -> memref<8xi32, #tpu.memory_space<vmem>>
        %dma_start3A_217 = arith.constant 0 : i32
        %dma_start3A_218 = arith.constant 0 : i32
        %dma_start3A_219 = tpu.memref_slice %arg3[%dma_start3A_217, %dma_start3A_218] : memref<8192x1024xf32, #tpu.memory_space<hbm>> -> memref<8192x1024xf32, #tpu.memory_space<hbm>>
        tpu.enqueue_indirect_dma source(%dma_start3A_219 : memref<8192x1024xf32, #tpu.memory_space<hbm>>) target(%arg12 : memref<8x1024xf32, #tpu.memory_space<vmem>>) offsets(%dma_start3A_216 : memref<8xi32, #tpu.memory_space<vmem>>) semaphore(%arg20 : memref<!tpu.dma_semaphore, #tpu.memory_space<semaphore_mem>>)
      } else {
      }
      %dma_wait3A_140 = arith.constant 0 : i32
      %dma_wait3A_141 = arith.constant 0 : i32
      %dma_wait3A_142 = tpu.memref_slice %arg2[%dma_wait3A_140, %dma_wait3A_141] : memref<8192x1024xf32, #tpu.memory_space<hbm>> -> memref<8x1024xf32, #tpu.memory_space<hbm>>
      %dma_wait3A_143 = arith.constant 0 : i32
      %dma_wait3A_144 = arith.constant 0 : i32
      %dma_wait3A_145 = tpu.memref_slice %arg2[%dma_wait3A_143, %dma_wait3A_144] : memref<8192x1024xf32, #tpu.memory_space<hbm>> -> memref<8x1024xf32, #tpu.memory_space<hbm>>
      tpu.wait_dma2 semaphore(%arg17 : memref<!tpu.dma_semaphore, #tpu.memory_space<semaphore_mem>>) src(%dma_wait3A_145 : memref<8x1024xf32, #tpu.memory_space<hbm>>) dst(%arg9 : memref<8x1024xf32, #tpu.memory_space<vmem>>)
      %dma_wait3A_146 = arith.constant 0 : i32
      %dma_wait3A_147 = tpu.memref_slice %arg6[%dma_wait3A_146] : memref<256xi32, #tpu.memory_space<vmem>> -> memref<8xi32, #tpu.memory_space<vmem>>
      %dma_wait3A_148 = arith.constant 0 : i32
      %dma_wait3A_149 = arith.constant 0 : i32
      %dma_wait3A_150 = tpu.memref_slice %arg3[%dma_wait3A_148, %dma_wait3A_149] : memref<8192x1024xf32, #tpu.memory_space<hbm>> -> memref<8192x1024xf32, #tpu.memory_space<hbm>>
      tpu.wait_indirect_dma semaphore(%arg21 : memref<!tpu.dma_semaphore, #tpu.memory_space<semaphore_mem>>) src(%dma_wait3A_150 : memref<8192x1024xf32, #tpu.memory_space<hbm>>) dst(%arg13 : memref<8x1024xf32, #tpu.memory_space<vmem>>)
      %scan3A_151 = arith.constant 0 : i32
      %scan3A_152 = arith.constant 8 : i32
      %scan3A_153 = arith.addi %scan3A_151, %scan3A_152 : i32
      %scan3A_154 = arith.constant 1 : i32
      scf.for %scan3A_203 = %scan3A_151 to %scan3A_153 step %scan3A_154  : i32 {
        %mul3A_204 = arith.constant 1 : i32
        %mul3A_205 = arith.muli %scan3A_203, %mul3A_204 : i32
        %add3A_206 = arith.constant 0 : i32
        %add3A_207 = arith.addi %add3A_206, %mul3A_205 : i32
        %scan3A_208 = arith.constant 0 : i32
        %scan3A_209 = arith.constant 64 : i32
        %scan3A_210 = arith.addi %scan3A_208, %scan3A_209 : i32
        %scan3A_211 = arith.constant 8 : i32
        scf.for %scan3A_213 = %scan3A_208 to %scan3A_210 step %scan3A_211  : i32 {
          %mul3A_214 = arith.constant 1 : i32
          %mul3A_215 = arith.muli %scan3A_213, %mul3A_214 : i32
          %add3A_216 = arith.constant 0 : i32
          %add3A_217 = arith.addi %add3A_216, %mul3A_215 : i32
          %mul3A_218 = arith.constant 16 : i32
          %mul3A_219 = arith.muli %add3A_217, %mul3A_218 : i32
          %get3A = arith.index_cast %add3A_207 : i32 to index
          %get3A_220 = arith.index_cast %mul3A_219 : i32 to index
          %get3A_221 = tpu.vector_load %arg13[%get3A, %get3A_220] {strides = array<i32>} : memref<8x1024xf32, #tpu.memory_space<vmem>>, vector<1x16xf32>,
          %get3A_222 = vector.shape_cast %get3A_221 : vector<1x16xf32> to vector<16xf32>
          %swap3A = arith.index_cast %add3A_207 : i32 to index
          %swap3A_223 = arith.index_cast %mul3A_219 : i32 to index
          %swap3A_224 = tpu.vector_load %arg9[%swap3A, %swap3A_223] {strides = array<i32>} : memref<8x1024xf32, #tpu.memory_space<vmem>>, vector<1x16xf32>,
          %swap3A_225 = vector.shape_cast %swap3A_224 : vector<1x16xf32> to vector<16xf32>
          %swap3A_226 = vector.shape_cast %get3A_222 : vector<16xf32> to vector<1x16xf32>
          tpu.vector_store %arg9[%swap3A, %swap3A_223], %swap3A_226 {add = true, strides = array<i32>} : memref<8x1024xf32, #tpu.memory_space<vmem>>, vector<1x16xf32>,
          %scan3A_227 = arith.constant 1 : i32
          %scan3A_228 = arith.addi %scan3A_213, %scan3A_227 : i32
          %mul3A_229 = arith.constant 1 : i32
          %mul3A_230 = arith.muli %scan3A_228, %mul3A_229 : i32
          %add3A_231 = arith.constant 0 : i32
          %add3A_232 = arith.addi %add3A_231, %mul3A_230 : i32
          %mul3A_233 = arith.constant 16 : i32
          %mul3A_234 = arith.muli %add3A_232, %mul3A_233 : i32
          %get3A_235 = arith.index_cast %add3A_207 : i32 to index
          %get3A_236 = arith.index_cast %mul3A_234 : i32 to index
          %get3A_237 = tpu.vector_load %arg13[%get3A_235, %get3A_236] {strides = array<i32>} : memref<8x1024xf32, #tpu.memory_space<vmem>>, vector<1x16xf32>,
          %get3A_238 = vector.shape_cast %get3A_237 : vector<1x16xf32> to vector<16xf32>
          %swap3A_239 = arith.index_cast %add3A_207 : i32 to index
          %swap3A_240 = arith.index_cast %mul3A_234 : i32 to index
          %swap3A_241 = tpu.vector_load %arg9[%swap3A_239, %swap3A_240] {strides = array<i32>} : memref<8x1024xf32, #tpu.memory_space<vmem>>, vector<1x16xf32>,
          %swap3A_242 = vector.shape_cast %swap3A_241 : vector<1x16xf32> to vector<16xf32>
          %swap3A_243 = vector.shape_cast %get3A_238 : vector<16xf32> to vector<1x16xf32>
          tpu.vector_store %arg9[%swap3A_239, %swap3A_240], %swap3A_243 {add = true, strides = array<i32>} : memref<8x1024xf32, #tpu.memory_space<vmem>>, vector<1x16xf32>,
          %scan3A_244 = arith.constant 2 : i32
          %scan3A_245 = arith.addi %scan3A_213, %scan3A_244 : i32
          %mul3A_246 = arith.constant 1 : i32
          %mul3A_247 = arith.muli %scan3A_245, %mul3A_246 : i32
          %add3A_248 = arith.constant 0 : i32
          %add3A_249 = arith.addi %add3A_248, %mul3A_247 : i32
          %mul3A_250 = arith.constant 16 : i32
          %mul3A_251 = arith.muli %add3A_249, %mul3A_250 : i32
          %get3A_252 = arith.index_cast %add3A_207 : i32 to index
          %get3A_253 = arith.index_cast %mul3A_251 : i32 to index
          %get3A_254 = tpu.vector_load %arg13[%get3A_252, %get3A_253] {strides = array<i32>} : memref<8x1024xf32, #tpu.memory_space<vmem>>, vector<1x16xf32>,
          %get3A_255 = vector.shape_cast %get3A_254 : vector<1x16xf32> to vector<16xf32>
          %swap3A_256 = arith.index_cast %add3A_207 : i32 to index
          %swap3A_257 = arith.index_cast %mul3A_251 : i32 to index
          %swap3A_258 = tpu.vector_load %arg9[%swap3A_256, %swap3A_257] {strides = array<i32>} : memref<8x1024xf32, #tpu.memory_space<vmem>>, vector<1x16xf32>,
          %swap3A_259 = vector.shape_cast %swap3A_258 : vector<1x16xf32> to vector<16xf32>
          %swap3A_260 = vector.shape_cast %get3A_255 : vector<16xf32> to vector<1x16xf32>
          tpu.vector_store %arg9[%swap3A_256, %swap3A_257], %swap3A_260 {add = true, strides = array<i32>} : memref<8x1024xf32, #tpu.memory_space<vmem>>, vector<1x16xf32>,
          %scan3A_261 = arith.constant 3 : i32
          %scan3A_262 = arith.addi %scan3A_213, %scan3A_261 : i32
          %mul3A_263 = arith.constant 1 : i32
          %mul3A_264 = arith.muli %scan3A_262, %mul3A_263 : i32
          %add3A_265 = arith.constant 0 : i32
          %add3A_266 = arith.addi %add3A_265, %mul3A_264 : i32
          %mul3A_267 = arith.constant 16 : i32
          %mul3A_268 = arith.muli %add3A_266, %mul3A_267 : i32
          %get3A_269 = arith.index_cast %add3A_207 : i32 to index
          %get3A_270 = arith.index_cast %mul3A_268 : i32 to index
          %get3A_271 = tpu.vector_load %arg13[%get3A_269, %get3A_270] {strides = array<i32>} : memref<8x1024xf32, #tpu.memory_space<vmem>>, vector<1x16xf32>,
          %get3A_272 = vector.shape_cast %get3A_271 : vector<1x16xf32> to vector<16xf32>
          %swap3A_273 = arith.index_cast %add3A_207 : i32 to index
          %swap3A_274 = arith.index_cast %mul3A_268 : i32 to index
          %swap3A_275 = tpu.vector_load %arg9[%swap3A_273, %swap3A_274] {strides = array<i32>} : memref<8x1024xf32, #tpu.memory_space<vmem>>, vector<1x16xf32>,
          %swap3A_276 = vector.shape_cast %swap3A_275 : vector<1x16xf32> to vector<16xf32>
          %swap3A_277 = vector.shape_cast %get3A_272 : vector<16xf32> to vector<1x16xf32>
          tpu.vector_store %arg9[%swap3A_273, %swap3A_274], %swap3A_277 {add = true, strides = array<i32>} : memref<8x1024xf32, #tpu.memory_space<vmem>>, vector<1x16xf32>,
          %scan3A_278 = arith.constant 4 : i32
          %scan3A_279 = arith.addi %scan3A_213, %scan3A_278 : i32
          %mul3A_280 = arith.constant 1 : i32
          %mul3A_281 = arith.muli %scan3A_279, %mul3A_280 : i32
          %add3A_282 = arith.constant 0 : i32
          %add3A_283 = arith.addi %add3A_282, %mul3A_281 : i32
          %mul3A_284 = arith.constant 16 : i32
          %mul3A_285 = arith.muli %add3A_283, %mul3A_284 : i32
          %get3A_286 = arith.index_cast %add3A_207 : i32 to index
          %get3A_287 = arith.index_cast %mul3A_285 : i32 to index
          %get3A_288 = tpu.vector_load %arg13[%get3A_286, %get3A_287] {strides = array<i32>} : memref<8x1024xf32, #tpu.memory_space<vmem>>, vector<1x16xf32>,
          %get3A_289 = vector.shape_cast %get3A_288 : vector<1x16xf32> to vector<16xf32>
          %swap3A_290 = arith.index_cast %add3A_207 : i32 to index
          %swap3A_291 = arith.index_cast %mul3A_285 : i32 to index
          %swap3A_292 = tpu.vector_load %arg9[%swap3A_290, %swap3A_291] {strides = array<i32>} : memref<8x1024xf32, #tpu.memory_space<vmem>>, vector<1x16xf32>,
          %swap3A_293 = vector.shape_cast %swap3A_292 : vector<1x16xf32> to vector<16xf32>
          %swap3A_294 = vector.shape_cast %get3A_289 : vector<16xf32> to vector<1x16xf32>
          tpu.vector_store %arg9[%swap3A_290, %swap3A_291], %swap3A_294 {add = true, strides = array<i32>} : memref<8x1024xf32, #tpu.memory_space<vmem>>, vector<1x16xf32>,
          %scan3A_295 = arith.constant 5 : i32
          %scan3A_296 = arith.addi %scan3A_213, %scan3A_295 : i32
          %mul3A_297 = arith.constant 1 : i32
          %mul3A_298 = arith.muli %scan3A_296, %mul3A_297 : i32
          %add3A_299 = arith.constant 0 : i32
          %add3A_300 = arith.addi %add3A_299, %mul3A_298 : i32
          %mul3A_301 = arith.constant 16 : i32
          %mul3A_302 = arith.muli %add3A_300, %mul3A_301 : i32
          %get3A_303 = arith.index_cast %add3A_207 : i32 to index
          %get3A_304 = arith.index_cast %mul3A_302 : i32 to index
          %get3A_305 = tpu.vector_load %arg13[%get3A_303, %get3A_304] {strides = array<i32>} : memref<8x1024xf32, #tpu.memory_space<vmem>>, vector<1x16xf32>,
          %get3A_306 = vector.shape_cast %get3A_305 : vector<1x16xf32> to vector<16xf32>
          %swap3A_307 = arith.index_cast %add3A_207 : i32 to index
          %swap3A_308 = arith.index_cast %mul3A_302 : i32 to index
          %swap3A_309 = tpu.vector_load %arg9[%swap3A_307, %swap3A_308] {strides = array<i32>} : memref<8x1024xf32, #tpu.memory_space<vmem>>, vector<1x16xf32>,
          %swap3A_310 = vector.shape_cast %swap3A_309 : vector<1x16xf32> to vector<16xf32>
          %swap3A_311 = vector.shape_cast %get3A_306 : vector<16xf32> to vector<1x16xf32>
          tpu.vector_store %arg9[%swap3A_307, %swap3A_308], %swap3A_311 {add = true, strides = array<i32>} : memref<8x1024xf32, #tpu.memory_space<vmem>>, vector<1x16xf32>,
          %scan3A_312 = arith.constant 6 : i32
          %scan3A_313 = arith.addi %scan3A_213, %scan3A_312 : i32
          %mul3A_314 = arith.constant 1 : i32
          %mul3A_315 = arith.muli %scan3A_313, %mul3A_314 : i32
          %add3A_316 = arith.constant 0 : i32
          %add3A_317 = arith.addi %add3A_316, %mul3A_315 : i32
          %mul3A_318 = arith.constant 16 : i32
          %mul3A_319 = arith.muli %add3A_317, %mul3A_318 : i32
          %get3A_320 = arith.index_cast %add3A_207 : i32 to index
          %get3A_321 = arith.index_cast %mul3A_319 : i32 to index
          %get3A_322 = tpu.vector_load %arg13[%get3A_320, %get3A_321] {strides = array<i32>} : memref<8x1024xf32, #tpu.memory_space<vmem>>, vector<1x16xf32>,
          %get3A_323 = vector.shape_cast %get3A_322 : vector<1x16xf32> to vector<16xf32>
          %swap3A_324 = arith.index_cast %add3A_207 : i32 to index
          %swap3A_325 = arith.index_cast %mul3A_319 : i32 to index
          %swap3A_326 = tpu.vector_load %arg9[%swap3A_324, %swap3A_325] {strides = array<i32>} : memref<8x1024xf32, #tpu.memory_space<vmem>>, vector<1x16xf32>,
          %swap3A_327 = vector.shape_cast %swap3A_326 : vector<1x16xf32> to vector<16xf32>
          %swap3A_328 = vector.shape_cast %get3A_323 : vector<16xf32> to vector<1x16xf32>
          tpu.vector_store %arg9[%swap3A_324, %swap3A_325], %swap3A_328 {add = true, strides = array<i32>} : memref<8x1024xf32, #tpu.memory_space<vmem>>, vector<1x16xf32>,
          %scan3A_329 = arith.constant 7 : i32
          %scan3A_330 = arith.addi %scan3A_213, %scan3A_329 : i32
          %mul3A_331 = arith.constant 1 : i32
          %mul3A_332 = arith.muli %scan3A_330, %mul3A_331 : i32
          %add3A_333 = arith.constant 0 : i32
          %add3A_334 = arith.addi %add3A_333, %mul3A_332 : i32
          %mul3A_335 = arith.constant 16 : i32
          %mul3A_336 = arith.muli %add3A_334, %mul3A_335 : i32
          %get3A_337 = arith.index_cast %add3A_207 : i32 to index
          %get3A_338 = arith.index_cast %mul3A_336 : i32 to index
          %get3A_339 = tpu.vector_load %arg13[%get3A_337, %get3A_338] {strides = array<i32>} : memref<8x1024xf32, #tpu.memory_space<vmem>>, vector<1x16xf32>,
          %get3A_340 = vector.shape_cast %get3A_339 : vector<1x16xf32> to vector<16xf32>
          %swap3A_341 = arith.index_cast %add3A_207 : i32 to index
          %swap3A_342 = arith.index_cast %mul3A_336 : i32 to index
          %swap3A_343 = tpu.vector_load %arg9[%swap3A_341, %swap3A_342] {strides = array<i32>} : memref<8x1024xf32, #tpu.memory_space<vmem>>, vector<1x16xf32>,
          %swap3A_344 = vector.shape_cast %swap3A_343 : vector<1x16xf32> to vector<16xf32>
          %swap3A_345 = vector.shape_cast %get3A_340 : vector<16xf32> to vector<1x16xf32>
          tpu.vector_store %arg9[%swap3A_341, %swap3A_342], %swap3A_345 {add = true, strides = array<i32>} : memref<8x1024xf32, #tpu.memory_space<vmem>>, vector<1x16xf32>,
        }
        %scan3A_212 = arith.constant 64 : i32
      }
      %scan3A_155 = arith.constant 8 : i32
      %mul3A_156 = arith.constant 8 : i32
      %mul3A_157 = arith.muli %add3A_124, %mul3A_156 : i32
      %add3A_158 = arith.addi %mul3A_2, %mul3A_157 : i32
      %dma_start3A_159 = arith.constant 0 : i32
      %dma_start3A_160 = tpu.memref_slice %arg5[%add3A_158, %dma_start3A_159] : memref<8192x1024xf32, #tpu.memory_space<hbm>> -> memref<8x1024xf32, #tpu.memory_space<hbm>>
      %dma_start3A_161 = arith.constant 0 : i32
      %dma_start3A_162 = tpu.memref_slice %arg5[%add3A_158, %dma_start3A_161] : memref<8192x1024xf32, #tpu.memory_space<hbm>> -> memref<8x1024xf32, #tpu.memory_space<hbm>>
      tpu.enqueue_dma source(%arg9 : memref<8x1024xf32, #tpu.memory_space<vmem>>) target(%dma_start3A_162 : memref<8x1024xf32, #tpu.memory_space<hbm>>) target_semaphore(%arg25 : memref<!tpu.dma_semaphore, #tpu.memory_space<semaphore_mem>>)
      %add3A_163 = arith.constant 3 : i32
      %add3A_164 = arith.addi %add3A_48, %add3A_163 : i32
      %dma_wait3A_165 = arith.constant 0 : i32
      %dma_wait3A_166 = arith.constant 0 : i32
      %dma_wait3A_167 = tpu.memref_slice %arg5[%dma_wait3A_165, %dma_wait3A_166] : memref<8192x1024xf32, #tpu.memory_space<hbm>> -> memref<8x1024xf32, #tpu.memory_space<hbm>>
      %dma_wait3A_168 = arith.constant 0 : i32
      %dma_wait3A_169 = arith.constant 0 : i32
      %dma_wait3A_170 = tpu.memref_slice %arg5[%dma_wait3A_168, %dma_wait3A_169] : memref<8192x1024xf32, #tpu.memory_space<hbm>> -> memref<8x1024xf32, #tpu.memory_space<hbm>>
      tpu.wait_dma2 semaphore(%arg25 : memref<!tpu.dma_semaphore, #tpu.memory_space<semaphore_mem>>) src(%arg9 : memref<8x1024xf32, #tpu.memory_space<vmem>>) dst(%dma_wait3A_170 : memref<8x1024xf32, #tpu.memory_space<hbm>>)
      %add3A_171 = arith.constant 4 : i32
      %add3A_172 = arith.addi %add3A_164, %add3A_171 : i32
      %sub3A_173 = arith.constant 1 : i32
      %sub3A_174 = arith.subi %add3A_172, %sub3A_173 : i32
      %lt3A_175 = arith.constant 32 : i32
      %lt3A_176 = arith.cmpi slt, %sub3A_174, %lt3A_175 : i32
      %convert_element_type3A_177 = arith.extui %lt3A_176 : i1 to i32
      %cond3A_178 = arith.constant 0 : i32
      %cond3A_179 = arith.cmpi ne, %convert_element_type3A_177, %cond3A_178 : i32
      scf.if %cond3A_179 {
        %add3A_203 = arith.constant 4 : i32
        %add3A_204 = arith.addi %add3A_164, %add3A_203 : i32
        %sub3A_205 = arith.constant 1 : i32
        %sub3A_206 = arith.subi %add3A_204, %sub3A_205 : i32
        %mul3A_207 = arith.constant 8 : i32
        %mul3A_208 = arith.muli %sub3A_206, %mul3A_207 : i32
        %add3A_209 = arith.addi %mul3A_2, %mul3A_208 : i32
        %dma_start3A_210 = arith.constant 0 : i32
        %dma_start3A_211 = tpu.memref_slice %arg2[%add3A_209, %dma_start3A_210] : memref<8192x1024xf32, #tpu.memory_space<hbm>> -> memref<8x1024xf32, #tpu.memory_space<hbm>>
        %dma_start3A_212 = arith.constant 0 : i32
        %dma_start3A_213 = tpu.memref_slice %arg2[%add3A_209, %dma_start3A_212] : memref<8192x1024xf32, #tpu.memory_space<hbm>> -> memref<8x1024xf32, #tpu.memory_space<hbm>>
        tpu.enqueue_dma source(%dma_start3A_213 : memref<8x1024xf32, #tpu.memory_space<hbm>>) target(%arg9 : memref<8x1024xf32, #tpu.memory_space<vmem>>) target_semaphore(%arg17 : memref<!tpu.dma_semaphore, #tpu.memory_space<semaphore_mem>>)
        %mul3A_214 = arith.constant 8 : i32
        %mul3A_215 = arith.muli %sub3A_206, %mul3A_214 : i32
        %dma_start3A_216 = tpu.memref_slice %arg6[%mul3A_215] : memref<256xi32, #tpu.memory_space<vmem>> -> memref<8xi32, #tpu.memory_space<vmem>>
        %dma_start3A_217 = arith.constant 0 : i32
        %dma_start3A_218 = arith.constant 0 : i32
        %dma_start3A_219 = tpu.memref_slice %arg3[%dma_start3A_217, %dma_start3A_218] : memref<8192x1024xf32, #tpu.memory_space<hbm>> -> memref<8192x1024xf32, #tpu.memory_space<hbm>>
        tpu.enqueue_indirect_dma source(%dma_start3A_219 : memref<8192x1024xf32, #tpu.memory_space<hbm>>) target(%arg13 : memref<8x1024xf32, #tpu.memory_space<vmem>>) offsets(%dma_start3A_216 : memref<8xi32, #tpu.memory_space<vmem>>) semaphore(%arg21 : memref<!tpu.dma_semaphore, #tpu.memory_space<semaphore_mem>>)
      } else {
      }
      %dma_wait3A_180 = arith.constant 0 : i32
      %dma_wait3A_181 = arith.constant 0 : i32
      %dma_wait3A_182 = tpu.memref_slice %arg2[%dma_wait3A_180, %dma_wait3A_181] : memref<8192x1024xf32, #tpu.memory_space<hbm>> -> memref<8x1024xf32, #tpu.memory_space<hbm>>
      %dma_wait3A_183 = arith.constant 0 : i32
      %dma_wait3A_184 = arith.constant 0 : i32
      %dma_wait3A_185 = tpu.memref_slice %arg2[%dma_wait3A_183, %dma_wait3A_184] : memref<8192x1024xf32, #tpu.memory_space<hbm>> -> memref<8x1024xf32, #tpu.memory_space<hbm>>
      tpu.wait_dma2 semaphore(%arg18 : memref<!tpu.dma_semaphore, #tpu.memory_space<semaphore_mem>>) src(%dma_wait3A_185 : memref<8x1024xf32, #tpu.memory_space<hbm>>) dst(%arg10 : memref<8x1024xf32, #tpu.memory_space<vmem>>)
      %dma_wait3A_186 = arith.constant 0 : i32
      %dma_wait3A_187 = tpu.memref_slice %arg6[%dma_wait3A_186] : memref<256xi32, #tpu.memory_space<vmem>> -> memref<8xi32, #tpu.memory_space<vmem>>
      %dma_wait3A_188 = arith.constant 0 : i32
      %dma_wait3A_189 = arith.constant 0 : i32
      %dma_wait3A_190 = tpu.memref_slice %arg3[%dma_wait3A_188, %dma_wait3A_189] : memref<8192x1024xf32, #tpu.memory_space<hbm>> -> memref<8192x1024xf32, #tpu.memory_space<hbm>>
      tpu.wait_indirect_dma semaphore(%arg22 : memref<!tpu.dma_semaphore, #tpu.memory_space<semaphore_mem>>) src(%dma_wait3A_190 : memref<8192x1024xf32, #tpu.memory_space<hbm>>) dst(%arg14 : memref<8x1024xf32, #tpu.memory_space<vmem>>)
      %scan3A_191 = arith.constant 0 : i32
      %scan3A_192 = arith.constant 8 : i32
      %scan3A_193 = arith.addi %scan3A_191, %scan3A_192 : i32
      %scan3A_194 = arith.constant 1 : i32
      scf.for %scan3A_203 = %scan3A_191 to %scan3A_193 step %scan3A_194  : i32 {
        %mul3A_204 = arith.constant 1 : i32
        %mul3A_205 = arith.muli %scan3A_203, %mul3A_204 : i32
        %add3A_206 = arith.constant 0 : i32
        %add3A_207 = arith.addi %add3A_206, %mul3A_205 : i32
        %scan3A_208 = arith.constant 0 : i32
        %scan3A_209 = arith.constant 64 : i32
        %scan3A_210 = arith.addi %scan3A_208, %scan3A_209 : i32
        %scan3A_211 = arith.constant 8 : i32
        scf.for %scan3A_213 = %scan3A_208 to %scan3A_210 step %scan3A_211  : i32 {
          %mul3A_214 = arith.constant 1 : i32
          %mul3A_215 = arith.muli %scan3A_213, %mul3A_214 : i32
          %add3A_216 = arith.constant 0 : i32
          %add3A_217 = arith.addi %add3A_216, %mul3A_215 : i32
          %mul3A_218 = arith.constant 16 : i32
          %mul3A_219 = arith.muli %add3A_217, %mul3A_218 : i32
          %get3A = arith.index_cast %add3A_207 : i32 to index
          %get3A_220 = arith.index_cast %mul3A_219 : i32 to index
          %get3A_221 = tpu.vector_load %arg14[%get3A, %get3A_220] {strides = array<i32>} : memref<8x1024xf32, #tpu.memory_space<vmem>>, vector<1x16xf32>,
          %get3A_222 = vector.shape_cast %get3A_221 : vector<1x16xf32> to vector<16xf32>
          %swap3A = arith.index_cast %add3A_207 : i32 to index
          %swap3A_223 = arith.index_cast %mul3A_219 : i32 to index
          %swap3A_224 = tpu.vector_load %arg10[%swap3A, %swap3A_223] {strides = array<i32>} : memref<8x1024xf32, #tpu.memory_space<vmem>>, vector<1x16xf32>,
          %swap3A_225 = vector.shape_cast %swap3A_224 : vector<1x16xf32> to vector<16xf32>
          %swap3A_226 = vector.shape_cast %get3A_222 : vector<16xf32> to vector<1x16xf32>
          tpu.vector_store %arg10[%swap3A, %swap3A_223], %swap3A_226 {add = true, strides = array<i32>} : memref<8x1024xf32, #tpu.memory_space<vmem>>, vector<1x16xf32>,
          %scan3A_227 = arith.constant 1 : i32
          %scan3A_228 = arith.addi %scan3A_213, %scan3A_227 : i32
          %mul3A_229 = arith.constant 1 : i32
          %mul3A_230 = arith.muli %scan3A_228, %mul3A_229 : i32
          %add3A_231 = arith.constant 0 : i32
          %add3A_232 = arith.addi %add3A_231, %mul3A_230 : i32
          %mul3A_233 = arith.constant 16 : i32
          %mul3A_234 = arith.muli %add3A_232, %mul3A_233 : i32
          %get3A_235 = arith.index_cast %add3A_207 : i32 to index
          %get3A_236 = arith.index_cast %mul3A_234 : i32 to index
          %get3A_237 = tpu.vector_load %arg14[%get3A_235, %get3A_236] {strides = array<i32>} : memref<8x1024xf32, #tpu.memory_space<vmem>>, vector<1x16xf32>,
          %get3A_238 = vector.shape_cast %get3A_237 : vector<1x16xf32> to vector<16xf32>
          %swap3A_239 = arith.index_cast %add3A_207 : i32 to index
          %swap3A_240 = arith.index_cast %mul3A_234 : i32 to index
          %swap3A_241 = tpu.vector_load %arg10[%swap3A_239, %swap3A_240] {strides = array<i32>} : memref<8x1024xf32, #tpu.memory_space<vmem>>, vector<1x16xf32>,
          %swap3A_242 = vector.shape_cast %swap3A_241 : vector<1x16xf32> to vector<16xf32>
          %swap3A_243 = vector.shape_cast %get3A_238 : vector<16xf32> to vector<1x16xf32>
          tpu.vector_store %arg10[%swap3A_239, %swap3A_240], %swap3A_243 {add = true, strides = array<i32>} : memref<8x1024xf32, #tpu.memory_space<vmem>>, vector<1x16xf32>,
          %scan3A_244 = arith.constant 2 : i32
          %scan3A_245 = arith.addi %scan3A_213, %scan3A_244 : i32
          %mul3A_246 = arith.constant 1 : i32
          %mul3A_247 = arith.muli %scan3A_245, %mul3A_246 : i32
          %add3A_248 = arith.constant 0 : i32
          %add3A_249 = arith.addi %add3A_248, %mul3A_247 : i32
          %mul3A_250 = arith.constant 16 : i32
          %mul3A_251 = arith.muli %add3A_249, %mul3A_250 : i32
          %get3A_252 = arith.index_cast %add3A_207 : i32 to index
          %get3A_253 = arith.index_cast %mul3A_251 : i32 to index
          %get3A_254 = tpu.vector_load %arg14[%get3A_252, %get3A_253] {strides = array<i32>} : memref<8x1024xf32, #tpu.memory_space<vmem>>, vector<1x16xf32>,
          %get3A_255 = vector.shape_cast %get3A_254 : vector<1x16xf32> to vector<16xf32>
          %swap3A_256 = arith.index_cast %add3A_207 : i32 to index
          %swap3A_257 = arith.index_cast %mul3A_251 : i32 to index
          %swap3A_258 = tpu.vector_load %arg10[%swap3A_256, %swap3A_257] {strides = array<i32>} : memref<8x1024xf32, #tpu.memory_space<vmem>>, vector<1x16xf32>,
          %swap3A_259 = vector.shape_cast %swap3A_258 : vector<1x16xf32> to vector<16xf32>
          %swap3A_260 = vector.shape_cast %get3A_255 : vector<16xf32> to vector<1x16xf32>
          tpu.vector_store %arg10[%swap3A_256, %swap3A_257], %swap3A_260 {add = true, strides = array<i32>} : memref<8x1024xf32, #tpu.memory_space<vmem>>, vector<1x16xf32>,
          %scan3A_261 = arith.constant 3 : i32
          %scan3A_262 = arith.addi %scan3A_213, %scan3A_261 : i32
          %mul3A_263 = arith.constant 1 : i32
          %mul3A_264 = arith.muli %scan3A_262, %mul3A_263 : i32
          %add3A_265 = arith.constant 0 : i32
          %add3A_266 = arith.addi %add3A_265, %mul3A_264 : i32
          %mul3A_267 = arith.constant 16 : i32
          %mul3A_268 = arith.muli %add3A_266, %mul3A_267 : i32
          %get3A_269 = arith.index_cast %add3A_207 : i32 to index
          %get3A_270 = arith.index_cast %mul3A_268 : i32 to index
          %get3A_271 = tpu.vector_load %arg14[%get3A_269, %get3A_270] {strides = array<i32>} : memref<8x1024xf32, #tpu.memory_space<vmem>>, vector<1x16xf32>,
          %get3A_272 = vector.shape_cast %get3A_271 : vector<1x16xf32> to vector<16xf32>
          %swap3A_273 = arith.index_cast %add3A_207 : i32 to index
          %swap3A_274 = arith.index_cast %mul3A_268 : i32 to index
          %swap3A_275 = tpu.vector_load %arg10[%swap3A_273, %swap3A_274] {strides = array<i32>} : memref<8x1024xf32, #tpu.memory_space<vmem>>, vector<1x16xf32>,
          %swap3A_276 = vector.shape_cast %swap3A_275 : vector<1x16xf32> to vector<16xf32>
          %swap3A_277 = vector.shape_cast %get3A_272 : vector<16xf32> to vector<1x16xf32>
          tpu.vector_store %arg10[%swap3A_273, %swap3A_274], %swap3A_277 {add = true, strides = array<i32>} : memref<8x1024xf32, #tpu.memory_space<vmem>>, vector<1x16xf32>,
          %scan3A_278 = arith.constant 4 : i32
          %scan3A_279 = arith.addi %scan3A_213, %scan3A_278 : i32
          %mul3A_280 = arith.constant 1 : i32
          %mul3A_281 = arith.muli %scan3A_279, %mul3A_280 : i32
          %add3A_282 = arith.constant 0 : i32
          %add3A_283 = arith.addi %add3A_282, %mul3A_281 : i32
          %mul3A_284 = arith.constant 16 : i32
          %mul3A_285 = arith.muli %add3A_283, %mul3A_284 : i32
          %get3A_286 = arith.index_cast %add3A_207 : i32 to index
          %get3A_287 = arith.index_cast %mul3A_285 : i32 to index
          %get3A_288 = tpu.vector_load %arg14[%get3A_286, %get3A_287] {strides = array<i32>} : memref<8x1024xf32, #tpu.memory_space<vmem>>, vector<1x16xf32>,
          %get3A_289 = vector.shape_cast %get3A_288 : vector<1x16xf32> to vector<16xf32>
          %swap3A_290 = arith.index_cast %add3A_207 : i32 to index
          %swap3A_291 = arith.index_cast %mul3A_285 : i32 to index
          %swap3A_292 = tpu.vector_load %arg10[%swap3A_290, %swap3A_291] {strides = array<i32>} : memref<8x1024xf32, #tpu.memory_space<vmem>>, vector<1x16xf32>,
          %swap3A_293 = vector.shape_cast %swap3A_292 : vector<1x16xf32> to vector<16xf32>
          %swap3A_294 = vector.shape_cast %get3A_289 : vector<16xf32> to vector<1x16xf32>
          tpu.vector_store %arg10[%swap3A_290, %swap3A_291], %swap3A_294 {add = true, strides = array<i32>} : memref<8x1024xf32, #tpu.memory_space<vmem>>, vector<1x16xf32>,
          %scan3A_295 = arith.constant 5 : i32
          %scan3A_296 = arith.addi %scan3A_213, %scan3A_295 : i32
          %mul3A_297 = arith.constant 1 : i32
          %mul3A_298 = arith.muli %scan3A_296, %mul3A_297 : i32
          %add3A_299 = arith.constant 0 : i32
          %add3A_300 = arith.addi %add3A_299, %mul3A_298 : i32
          %mul3A_301 = arith.constant 16 : i32
          %mul3A_302 = arith.muli %add3A_300, %mul3A_301 : i32
          %get3A_303 = arith.index_cast %add3A_207 : i32 to index
          %get3A_304 = arith.index_cast %mul3A_302 : i32 to index
          %get3A_305 = tpu.vector_load %arg14[%get3A_303, %get3A_304] {strides = array<i32>} : memref<8x1024xf32, #tpu.memory_space<vmem>>, vector<1x16xf32>,
          %get3A_306 = vector.shape_cast %get3A_305 : vector<1x16xf32> to vector<16xf32>
          %swap3A_307 = arith.index_cast %add3A_207 : i32 to index
          %swap3A_308 = arith.index_cast %mul3A_302 : i32 to index
          %swap3A_309 = tpu.vector_load %arg10[%swap3A_307, %swap3A_308] {strides = array<i32>} : memref<8x1024xf32, #tpu.memory_space<vmem>>, vector<1x16xf32>,
          %swap3A_310 = vector.shape_cast %swap3A_309 : vector<1x16xf32> to vector<16xf32>
          %swap3A_311 = vector.shape_cast %get3A_306 : vector<16xf32> to vector<1x16xf32>
          tpu.vector_store %arg10[%swap3A_307, %swap3A_308], %swap3A_311 {add = true, strides = array<i32>} : memref<8x1024xf32, #tpu.memory_space<vmem>>, vector<1x16xf32>,
          %scan3A_312 = arith.constant 6 : i32
          %scan3A_313 = arith.addi %scan3A_213, %scan3A_312 : i32
          %mul3A_314 = arith.constant 1 : i32
          %mul3A_315 = arith.muli %scan3A_313, %mul3A_314 : i32
          %add3A_316 = arith.constant 0 : i32
          %add3A_317 = arith.addi %add3A_316, %mul3A_315 : i32
          %mul3A_318 = arith.constant 16 : i32
          %mul3A_319 = arith.muli %add3A_317, %mul3A_318 : i32
          %get3A_320 = arith.index_cast %add3A_207 : i32 to index
          %get3A_321 = arith.index_cast %mul3A_319 : i32 to index
          %get3A_322 = tpu.vector_load %arg14[%get3A_320, %get3A_321] {strides = array<i32>} : memref<8x1024xf32, #tpu.memory_space<vmem>>, vector<1x16xf32>,
          %get3A_323 = vector.shape_cast %get3A_322 : vector<1x16xf32> to vector<16xf32>
          %swap3A_324 = arith.index_cast %add3A_207 : i32 to index
          %swap3A_325 = arith.index_cast %mul3A_319 : i32 to index
          %swap3A_326 = tpu.vector_load %arg10[%swap3A_324, %swap3A_325] {strides = array<i32>} : memref<8x1024xf32, #tpu.memory_space<vmem>>, vector<1x16xf32>,
          %swap3A_327 = vector.shape_cast %swap3A_326 : vector<1x16xf32> to vector<16xf32>
          %swap3A_328 = vector.shape_cast %get3A_323 : vector<16xf32> to vector<1x16xf32>
          tpu.vector_store %arg10[%swap3A_324, %swap3A_325], %swap3A_328 {add = true, strides = array<i32>} : memref<8x1024xf32, #tpu.memory_space<vmem>>, vector<1x16xf32>,
          %scan3A_329 = arith.constant 7 : i32
          %scan3A_330 = arith.addi %scan3A_213, %scan3A_329 : i32
          %mul3A_331 = arith.constant 1 : i32
          %mul3A_332 = arith.muli %scan3A_330, %mul3A_331 : i32
          %add3A_333 = arith.constant 0 : i32
          %add3A_334 = arith.addi %add3A_333, %mul3A_332 : i32
          %mul3A_335 = arith.constant 16 : i32
          %mul3A_336 = arith.muli %add3A_334, %mul3A_335 : i32
          %get3A_337 = arith.index_cast %add3A_207 : i32 to index
          %get3A_338 = arith.index_cast %mul3A_336 : i32 to index
          %get3A_339 = tpu.vector_load %arg14[%get3A_337, %get3A_338] {strides = array<i32>} : memref<8x1024xf32, #tpu.memory_space<vmem>>, vector<1x16xf32>,
          %get3A_340 = vector.shape_cast %get3A_339 : vector<1x16xf32> to vector<16xf32>
          %swap3A_341 = arith.index_cast %add3A_207 : i32 to index
          %swap3A_342 = arith.index_cast %mul3A_336 : i32 to index
          %swap3A_343 = tpu.vector_load %arg10[%swap3A_341, %swap3A_342] {strides = array<i32>} : memref<8x1024xf32, #tpu.memory_space<vmem>>, vector<1x16xf32>,
          %swap3A_344 = vector.shape_cast %swap3A_343 : vector<1x16xf32> to vector<16xf32>
          %swap3A_345 = vector.shape_cast %get3A_340 : vector<16xf32> to vector<1x16xf32>
          tpu.vector_store %arg10[%swap3A_341, %swap3A_342], %swap3A_345 {add = true, strides = array<i32>} : memref<8x1024xf32, #tpu.memory_space<vmem>>, vector<1x16xf32>,
        }
        %scan3A_212 = arith.constant 64 : i32
      }
      %scan3A_195 = arith.constant 8 : i32
      %mul3A_196 = arith.constant 8 : i32
      %mul3A_197 = arith.muli %add3A_164, %mul3A_196 : i32
      %add3A_198 = arith.addi %mul3A_2, %mul3A_197 : i32
      %dma_start3A_199 = arith.constant 0 : i32
      %dma_start3A_200 = tpu.memref_slice %arg5[%add3A_198, %dma_start3A_199] : memref<8192x1024xf32, #tpu.memory_space<hbm>> -> memref<8x1024xf32, #tpu.memory_space<hbm>>
      %dma_start3A_201 = arith.constant 0 : i32
      %dma_start3A_202 = tpu.memref_slice %arg5[%add3A_198, %dma_start3A_201] : memref<8192x1024xf32, #tpu.memory_space<hbm>> -> memref<8x1024xf32, #tpu.memory_space<hbm>>
      tpu.enqueue_dma source(%arg10 : memref<8x1024xf32, #tpu.memory_space<vmem>>) target(%dma_start3A_202 : memref<8x1024xf32, #tpu.memory_space<hbm>>) target_semaphore(%arg26 : memref<!tpu.dma_semaphore, #tpu.memory_space<semaphore_mem>>)
    }
    %scan3A_38 = arith.constant 8 : i32
    %dma_wait3A = arith.constant 0 : i32
    %dma_wait3A_39 = arith.constant 0 : i32
    %dma_wait3A_40 = tpu.memref_slice %arg5[%dma_wait3A, %dma_wait3A_39] : memref<8192x1024xf32, #tpu.memory_space<hbm>> -> memref<8x1024xf32, #tpu.memory_space<hbm>>
    %dma_wait3A_41 = arith.constant 0 : i32
    %dma_wait3A_42 = arith.constant 0 : i32
    %dma_wait3A_43 = tpu.memref_slice %arg5[%dma_wait3A_41, %dma_wait3A_42] : memref<8192x1024xf32, #tpu.memory_space<hbm>> -> memref<8x1024xf32, #tpu.memory_space<hbm>>
    tpu.wait_dma2 semaphore(%arg26 : memref<!tpu.dma_semaphore, #tpu.memory_space<semaphore_mem>>) src(%arg10 : memref<8x1024xf32, #tpu.memory_space<vmem>>) dst(%dma_wait3A_43 : memref<8x1024xf32, #tpu.memory_space<hbm>>)
    return
  }
}

</mosaic_0001>

<sc_bundles>
// kernel: kernel.3.cloned.1.call-start
scs
__scs_entry_jumppad:
0x0: {  	(pc) =	sbr.rel $0x88, $3  }
0x1: {  	(tag) =	ssettag $0x0;
	lr =	simm.s32 $0x1  }
0x2: {  	[smem:$0x3F9E] =	sst lr;
	_ =	strace $0xD0000000  }
0x3: {  	_ = 	snop  }
0x4: {  	_ = 	snop  }
0x5: {  	_ = 	snop  }
0x6: {  	_ = 	snop  }
0x7: {  	_ = 	snop  }
__scs_overlays_trampoline_lowered:
0x8: {  	[smem:$0x3FAD] =	sst s0  }
0x9: {  	[smem:$0x3FAE] =	sst s1  }
0xa: {  	[smem:$0x3FAF] =	sst s2  }
0xb: {  	[smem:$0x3FB0] =	sst s3  }
0xc: {  	[smem:$0x3FB1] =	sst s4  }
0xd: {  	[smem:$0x3FB2] =	sst s5  }
0xe: {  	[smem:$0x3FB3] =	sst s6  }
0xf: {  	[smem:$0x3FB4] =	sst s7  }
0x10: {  	[smem:$0x3FB5] =	sst s8  }
0x11: {  	[smem:$0x3FB6] =	sst s9;
	s0 =	simm.s32 @!p0 $0x0  }
0x12: {  	s1 =	sld [smem:$0x3F9C];
	s0 =	simm.s32 @p0 $0x1  }
0x13: {  	[smem:$0x3FB7] =	sst s0;
	s0 =	simm.s32 @!p1 $0x0  }
0x14: {  	s2 =	sld [smem:$0x3F9B];
	s0 =	simm.s32 @p1 $0x1  }
0x15: {  	[smem:$0x3FB8] =	sst s0;
	s0 =	simm.s32 @!p2 $0x0  }
0x16: {  	s3 =	sld [smem:$0x3FDB];
	s0 =	simm.s32 @p2 $0x1  }
0x17: {  	s4 =	simm.s32 $0x1BF5;
	[smem:$0x3FBA] =	sst s0  }
0x18: {  	s0 =	sld [smem:$0x3F9D];
	_ =	swait.ge [sflag:s4], $0x0  }
0x19: {  	s7 =	sld [smem:$0x3F9E]  }
0x1a: {  	s8 =	sadd.s32 $0xFFFFE003, lr  }
0x1b: {  	s9 =	sadd.s32 $0xFFFFFEF7, lr;
	s5 =	simm.s32 $0xFFFFFFFF;
	p2 =	slt.u32 s8, $0xFFFFF086  }
0x1c: {  	p1 =	slt.u32 s9, $0xF7A;
	s5 =	simm.s32 @!p2 $0x0  }
0x1d: {  	s5 =	simm.s32 @p1 $0x1;
	p0 =	seq.s32 s7, s2  }
0x1e: {  	s7 =	smul.u32 @!p0 $0xF7A, s2;
	p2 =	seq.s32 @!p0 s5, $0x0  }
0x1f: {  	s9 =	smul.u32 $0xF7A, s1;
	s8 =	simm.s32 @!p0 $0x1BF5;
	p2 =	por !p2, p0  }
0x20: {  	[sflag:s8] =	ssyncset.s32 @!p0 $0xFFFFF086;
	s6 =	sadd.s32 @!p0 s3, s7;
	s7 =	simm.s32 @!p0 $0x108  }
0x21: {  	s3 =	sadd.s32 s3, s9;
	s6 =	sadd.s32 @!p0 $0x88, s6;
	s7 =	simm.s32 @p2 $0x1082  }
0x22: {  	[simem:s7], [sflag:s8] =	dma.local @!p0 [hbm:s6], $0xF7A  }
0x23: {  	s9 =	sor.u32 $0xD0000000, s2;
	s6 =	simm.s32 $0x108;
	_ =	swait.ge @!p0 [sflag:s8], $0x0  }
0x24: {  	s3 =	sadd.s32 $0x88, s3;
	s6 =	simm.s32 @!p1 $0x1082;
	[sflag:s4] =	ssyncset.s32 $0xFFFFF086  }
0x25: {  	[simem:s6], [sflag:s4] =	dma.local [hbm:s3], $0xF7A  }
0x26: {  	[smem:$0x3F9E] =	sst s1;
	(tag) =	ssettag s2;
	_ =	strace s9  }
0x27: {  	s1 =	sld [smem:$0x3FAE]  }
0x28: {  	s2 =	sld [smem:$0x3FAF]  }
0x29: {  	s4 =	sld [smem:$0x3FB1]  }
0x2a: {  	p0 =	seq.s32 s5, $0x0;
	s5 =	sld [smem:$0x3FB2]  }
0x2b: {  	s6 =	sld [smem:$0x3FB3]  }
0x2c: {  	s7 =	sld [smem:$0x3FB4]  }
0x2d: {  	s3 =	simm.s32 $0x108;
	s8 =	sld [smem:$0x3FB5]  }
0x2e: {  	s3 =	simm.s32 @!p0 $0x1082;
	s9 =	sld [smem:$0x3FB6]  }
0x2f: {  	lr =	sadd.s32 s0, s3;
	s0 =	sld [smem:$0x3FAD]  }
0x30: {  	s3 =	sld [smem:$0x3FB0]  }
0x31: {  	[smem:$0x3FB9] =	sst s10  }
0x32: {  	s10 =	sld [smem:$0x3FB7];
	_ =	sdelay $0x3  }
0x33: {  	p0 =	seq.s32 s10, $0x1;
	s10 =	sld [smem:$0x3FB9];
	_ =	sdelay $0x3  }
0x34: {  	[smem:$0x3FB9] =	sst s10  }
0x35: {  	s10 =	sld [smem:$0x3FB8];
	_ =	sdelay $0x3  }
0x36: {  	p1 =	seq.s32 s10, $0x1;
	s10 =	sld [smem:$0x3FB9];
	_ =	sdelay $0x3  }
0x37: {  	[smem:$0x3FB9] =	sst s10  }
0x38: {  	s10 =	sld [smem:$0x3FBA]  }
0x39: {  	_ = 	snop;
	(pc) =	sbr.ind lr, $3  }
0x3a: {  	_ = 	snop  }
0x3b: {  	_ = 	snop  }
0x3c: {  	p2 =	seq.s32 s10, $0x1;
	s10 =	sld [smem:$0x3FB9]  }
0x3d: {  	_ =	shalt  }
0x3e: {  	_ =	shalt  }
0x3f: {  	_ =	shalt  }
0x40: {  	_ =	shalt  }
0x41: {  	_ =	shalt  }
0x42: {  	_ =	shalt  }
0x43: {  	_ =	shalt  }
0x44: {  	_ =	shalt  }
0x45: {  	_ =	shalt  }
0x46: {  	_ =	shalt  }
0x47: {  	_ =	shalt  }
0x48: {  	_ =	shalt  }
0x49: {  	_ =	shalt  }
0x4a: {  	_ =	shalt  }
0x4b: {  	_ =	shalt  }
0x4c: {  	_ =	shalt  }
0x4d: {  	_ =	shalt  }
0x4e: {  	_ =	shalt  }
0x4f: {  	_ =	shalt  }
0x50: {  	_ =	shalt  }
0x51: {  	_ =	shalt  }
0x52: {  	_ =	shalt  }
0x53: {  	_ =	shalt  }
0x54: {  	_ =	shalt  }
0x55: {  	_ =	shalt  }
0x56: {  	_ =	shalt  }
0x57: {  	_ =	shalt  }
0x58: {  	_ =	shalt  }
0x59: {  	_ =	shalt  }
0x5a: {  	_ =	shalt  }
0x5b: {  	_ =	shalt  }
0x5c: {  	_ =	shalt  }
0x5d: {  	_ =	shalt  }
0x5e: {  	_ =	shalt  }
0x5f: {  	_ =	shalt  }
0x60: {  	_ =	shalt  }
0x61: {  	_ =	shalt  }
0x62: {  	_ =	shalt  }
0x63: {  	_ =	shalt  }
0x64: {  	_ =	shalt  }
0x65: {  	_ =	shalt  }
0x66: {  	_ =	shalt  }
0x67: {  	_ =	shalt  }
0x68: {  	_ =	shalt  }
0x69: {  	_ =	shalt  }
0x6a: {  	_ =	shalt  }
0x6b: {  	_ =	shalt  }
0x6c: {  	_ =	shalt  }
0x6d: {  	_ =	shalt  }
0x6e: {  	_ =	shalt  }
0x6f: {  	_ =	shalt  }
0x70: {  	_ =	shalt  }
0x71: {  	_ =	shalt  }
0x72: {  	_ =	shalt  }
0x73: {  	_ =	shalt  }
0x74: {  	_ =	shalt  }
0x75: {  	_ =	shalt  }
0x76: {  	_ =	shalt  }
0x77: {  	_ =	shalt  }
0x78: {  	_ =	shalt  }
0x79: {  	_ =	shalt  }
0x7a: {  	_ =	shalt  }
0x7b: {  	_ =	shalt  }
0x7c: {  	_ =	shalt  }
0x7d: {  	_ =	shalt  }
0x7e: {  	_ =	shalt  }
0x7f: {  	_ =	shalt  }
0x80: {  	_ =	shalt  }
0x81: {  	_ =	shalt  }
0x82: {  	_ =	shalt  }
0x83: {  	_ =	shalt  }
0x84: {  	_ =	shalt  }
0x85: {  	_ =	shalt  }
0x86: {  	_ =	shalt  }
0x87: {  	_ =	shalt  }
.Lfunc_end0:
.L_simem_size_0:
called_computation_lowered:
.L_overlay_start_0:
0x88: {  	s2 =	sld [smem:$0x3FD9]  }
0x89: {  	s3 =	sld [smem:$0x3FFE];
	_ =	sdelay $0x1  }
0x8a: {  	s1 =	srdreg.scid  }
0x8b: {  	s0 =	sand.u32 $0x1, s1  }
0x8c: {  	s18 =	sshll.u32 s0, $0xA;
	s2 =	sadd.s32 s3, s2  }
0x8d: {  	s2 =	sadd.s32 s2, s18  }
0x8e: {  	[smem:$0x3FC5] =	sst s2  }
0x8f: {  	_ = 	snop  }
0x90: {  	s2 =	sld [smem:$0x3FC9]  }
0x91: {  	s19 =	sld [smem:$0x3FC8]  }
0x92: {  	s4 =	sld [smem:$0x3FC7]  }
0x93: {  	s5 =	sld [smem:$0x3FD0];
	(tm) =	ssettm $0x1  }
0x94: {  	s6 =	sld [smem:$0x3FFB];
	_ =	sdelay $0x3  }
0x95: {  	_ =	strace s6  }
0x96: {  	s6 =	sld [smem:$0x3FFC];
	_ =	sdelay $0x3  }
0x97: {  	_ =	strace s6  }
0x98: {  	s6 =	sld [smem:$0x3FFD];
	_ =	sdelay $0x3  }
0x99: {  	_ =	strace s6  }
0x9a: {  	_ =	strace $0x8FFFFFFF  }
0x9b: {  	s20 =	sld [smem:$0x3FDB];
	_ =	sdelay $0x1  }
0x9c: {  	s7 =	simm.s32 $_scs_section_size  }
0x9d: {  	s8 =	simm.s32 $_size__tile_overlayer_lowered;
	s9 =	simm.s32 $_tile_overlayer_lowered  }
0x9e: {  	s23 =	simm.s32 $0x1BFF;
	s22 =	sshll.u32 s9, $0x1;
	s6 =	sadd.s32 s7, s20  }
0x9f: {  	s10 =	simm.s32 $0x0;
	s21 =	sshll.u32 s8, $0x1;
	s8 =	sadd.s32 s22, s6  }
0xa0: {  	[timem:s10], [sflag:s23] =	dma.local [hbm:s8], s21  }
0xa1: {  	_ =	swait.ge [sflag:s23], s21  }
0xa2: {  	s7 =	ssub.s32 $0x0, s21;
	[sflag:s23] =	ssyncset.done $0x0  }
0xa3: {  	[sflag:s23] =	ssyncadd.s32 s7;
	_ =	sdelay $0x1  }
0xa4: {  	s24 =	simm.s32 $0x1B8B  }
0xa5: {  	_ =	swait.ge [sflag:s24], $0x1  }
0xa6: {  	[sflag:s24] =	ssyncset.done $0x0  }
0xa7: {  	s25 =	simm.s32 $0x1B8E;
	[sflag:s24] =	ssyncadd.s32 $0xFFFFFFFF  }
0xa8: {  	s26 =	simm.s32 $execute0_lowered;
	[smem:$0x3FD2] =	sst s25  }
0xa9: {  	s7 =	sshll.u32 s26, $0x1;
	_ =	strace $0x80000046;
	[dreg:$0x1] =	wrdreg $0xFFFFFFFF  }
0xaa: {  	s28 =	simm.s32 $_size_execute0_lowered;
	s6 =	sadd.s32 s6, s7;
	[dreg:$0x0] =	wrdreg $0x0  }
0xab: {  	s7 =	sshll.u32 s28, $0x1;
	[dreg:$0x2] =	wrdreg s6  }
0xac: {  	[dreg:$0x3] =	wrdreg s7  }
0xad: {  	[dreg:$0x4] =	wrdreg $0xC0  }
0xae: {  	_ =	task [dreg:s10], $0x5FFFF  }
0xaf: {  	[dreg:$0x1] =	wrdreg $0xFFFFFFFF  }
0xb0: {  	[dreg:$0x0] =	wrdreg $0x60  }
0xb1: {  	[dreg:$0x2] =	wrdreg s2  }
0xb2: {  	[dreg:$0x3] =	wrdreg s19  }
0xb3: {  	[dreg:$0x4] =	wrdreg s4  }
0xb4: {  	[dreg:$0x5] =	wrdreg s5  }
0xb5: {  	[dreg:$0x6] =	wrdreg $0x9  }
0xb6: {  	_ =	task.clear_ibuf [dreg:s10], $0x7FFFF;
	_ =	strace $0x90000046  }
0xb7: {  	s29 =	simm.s32 $0x9;
	_ =	strace $0x80000048  }
0xb8: {  	_ =	swait.ge [sflag:s29], $0x1  }
0xb9: {  	[sflag:s29] =	ssyncadd.s32 $0xFFFFFFFF  }
0xba: {  	_ =	strace $0x90000048  }
0xbb: {  	_ =	sfence  }
0xbc: {  	s30 =	sld [smem:$0x0];
	_ =	sdelay $0x2  }
0xbd: {  	s31 =	sshll.u32 s1, $0xD;
	s1 =	sshrl.u32 s1, $0x2  }
0xbe: {  	s3 =	sand.u32 $0x4000, s31;
	s1 =	sadd.s32 s1, s30  }
0xbf: {  	s0 =	sor.u32 s3, s0;
	s1 =	sshll.u32 s1, $0x11  }
0xc0: {  	s0 =	sor.u32 s1, s0  }
0xc1: {  	s0 =	sadd.s32 $0x8F2B, s0  }
0xc2: {  	[sflag:s0] =	ssyncadd.remote.s32 $0x1  }
0xc3: {  	_ =	sfence.sel $0xFFFF  }
0xc4: {  	[dreg:$0x0] =	wrdreg $0xFFFFFFFF;
	(pc) =	sbr.abs _section_cstart, $3  }
0xc5: {  	[dreg:$0x1] =	wrdreg $0xFFFFFFFF  }
0xc6: {  	_ =	task.clear_ibuf [dreg:s10], $0x2FFFF;
	_ =	strace $0x9FFFFFFF  }
0xc7: {  	(tm) =	ssettm $0x7FFFFFFF  }
tec
execute0_lowered:
.L_overlay_start_1:
0x0: {  	(tag) =	ssettag $0x1  }
0x1: {  	s1 =	rddreg [dreg:$0x0]  }
0x2: {  	s2 =	rddreg [dreg:$0x1]  }
0x3: {  	s0 =	rddreg [dreg:$0x2]  }
0x4: {  	s4 =	rddreg [dreg:$0x3]  }
0x5: {  	s3 =	srdreg.scid;
	s6 =	stileid.u32  }
0x6: {  	s5 =	simm.s32 $0x0;
	s21 =	simm.s32 $0x6100;
	s28 =	simm.s32 $0x5  }
0x7: {  	s29 =	simm.s32 $0x9;
	s30 =	simm.s32 $0x2;
	s31 =	simm.s32 $0x6  }
0x8: {  	s11 =	simm.s32 $0x4;
	s16 =	simm.s32 $0x8;
	s18 =	simm.s32 $0x0  }
0x9: {  	s3 =	sand.u32 $0x1, s3;
	s6 =	sshll.u32 s6, $0x9;
	[smem:$0x7FF] =	sst s5  }
0xa: {  	s12 =	sadd.s32 $0x100, s2;
	s13 =	sadd.s32 $0x200, s2;
	s7 =	sshll.u32 s3, $0x8  }
0xb: {  	s14 =	sadd.s32 $0x300, s2;
	s3 =	ssub.s32 $0x2, s3;
	s6 =	sor.u32 s7, s6  }
0xc: {  	_ =	strace $0x80000047;
	s24 =	sshrl.u32 s3, $0x1;
	s9 =	sshll.u32 s6, $0x7  }
0xd: {  	s3 =	ssub.s32 s3, s24;
	s8 =	sshrl.u32 s6, $0x3;
	s25 =	sadd.s32 s1, s9  }
0xe: {  	s0 =	sadd.s32 s0, s8;
	s15 =	sadd.s32 s4, s9;
	[dreg:$0x5] =	wrdreg s25  }
0xf: {  	s26 =	smax.u32 s3, $0x1;
	s3 =	simm.s32 $0x3;
	[dreg:$0x8] =	wrdreg s0  }
0x10: {  	v0 =	vlaneseq.u32;
	s9 =	simm.s32 $0x7;
	s10 =	sadd.s32 $0x400, s25;
	[dreg:$0x9] =	wrdreg s26  }
0x11: {  	v1 =	vshrl.u32 v0, $0x3;
	s7 =	sadd.s32 $0x800, s25;
	s26 =	simm.s32 $0x1;
	[dreg:$0x6] =	wrdreg s10  }
0x12: {  	vm0 =	vmmov $0xffff;
	v0 =	vand.u32 $0x7, v0;
	v1 =	vmul.u32 $0x8, v1;
	s0 =	simm.s32 $0xA;
	[dreg:$0x7] =	wrdreg s7;
	s10 =	simm.s32 $0xB  }
.LBB2_1:
0x13: {  	[dreg:$0xa] =	wrdreg s18  }
0x14: {  	s7 =	rddreg [dreg:$0x5];
	s17 =	simm.s32 $0x100  }
0x15: {  	[tilespmem:s17], [sflag:$0x1] =	stream.linear.gather [hbm4b:s7+s5], $0x2000, $0x38;
	[tilespmem:$0x10100] =	vst v63  }
0x16: {  	s24 =	rddreg [dreg:$0x6];
	s25 =	simm.s32 $0x2100  }
0x17: {  	[tilespmem:s25], [sflag:$0x2] =	stream.linear.gather [hbm4b:s24+s5], $0x2000, $0x38;
	[tilespmem:$0x10100] =	vst v63  }
0x18: {  	s18 =	simm.s32 $0x4100;
	s17 =	rddreg [dreg:$0x7]  }
0x19: {  	[tilespmem:s18], [sflag:$0x3] =	stream.linear.gather [hbm4b:s17+s5], $0x2000, $0x38;
	[tilespmem:$0x10100] =	vst v63  }
0x1a: {  	s19 =	rddreg [dreg:$0x8];
	s20 =	simm.s32 $0xD  }
0x1b: {  	[tilespmem:s5], [sflag:$0xD] =	stream.linear.gather [hbm4b:s19+s5], $0x100, $0x38;
	[tilespmem:$0x10100] =	vst v63  }
0x1c: {  	_ =	swait.ge [sflag:s20], $0x100  }
0x1d: {  	[sflag:s20] =	ssyncset.done $0x0  }
0x1e: {  	[sflag:s20] =	ssyncadd.s32 $0xFFFFFF00  }
0x1f: {  	v2 =	vld.msk [tilespmem:$0x0], $0xff;
	_ =	sdelay $0x4  }
0x20: {  	v3 =	vshll.u32 v2, $0x3  }
0x21: {  	v2 =	vand.u32 $0x7, v2;
	v3 =	vand.u32 $0xFFFFFFC0, v3  }
0x22: {  	v2 =	vor.u32 v2, v3  }
0x23: {  	v2 =	vperm.xlane v2, v0;
	_ =	sdelay $0x1  }
0x24: {  	v2 =	vadd.s32 v1, v2;
	_ =	sdelay $0x3  }
0x25: {  	s22 =	simm.s32 $0x8100  }
0x26: {  	[tilespmem:s22], [sflag:$0x5] =	stream.indirect_vreg.gather [hbm4b:s2+s5], $0x80, v2, vm0, $0xb8;
	[tilespmem:$0x10100] =	vst v63  }
0x27: {  	s23 =	simm.s32 $0x8900  }
0x28: {  	[tilespmem:s23], [sflag:$0x5] =	stream.indirect_vreg.gather [hbm4b:s12+s5], $0x80, v2, vm0, $0xb8;
	[tilespmem:$0x10100] =	vst v63  }
0x29: {  	s24 =	simm.s32 $0x9100  }
0x2a: {  	[tilespmem:s24], [sflag:$0x5] =	stream.indirect_vreg.gather [hbm4b:s13+s5], $0x80, v2, vm0, $0xb8;
	[tilespmem:$0x10100] =	vst v63  }
0x2b: {  	s25 =	simm.s32 $0x9900  }
0x2c: {  	[tilespmem:s25], [sflag:$0x5] =	stream.indirect_vreg.gather [hbm4b:s14+s5], $0x80, v2, vm0, $0xb8;
	[tilespmem:$0x10100] =	vst v63  }
0x2d: {  	v2 =	vld.msk [tilespmem:$0x8], $0xff;
	_ =	sdelay $0x4  }
0x2e: {  	v3 =	vshll.u32 v2, $0x3  }
0x2f: {  	v2 =	vand.u32 $0x7, v2;
	v3 =	vand.u32 $0xFFFFFFC0, v3  }
0x30: {  	v2 =	vor.u32 v2, v3  }
0x31: {  	v2 =	vperm.xlane v2, v0;
	_ =	sdelay $0x1  }
0x32: {  	v2 =	vadd.s32 v1, v2;
	_ =	sdelay $0x3  }
0x33: {  	s17 =	simm.s32 $0xA100  }
0x34: {  	[tilespmem:s17], [sflag:$0x6] =	stream.indirect_vreg.gather [hbm4b:s2+s5], $0x80, v2, vm0, $0xb8;
	[tilespmem:$0x10100] =	vst v63  }
0x35: {  	s18 =	simm.s32 $0xA900  }
0x36: {  	[tilespmem:s18], [sflag:$0x6] =	stream.indirect_vreg.gather [hbm4b:s12+s5], $0x80, v2, vm0, $0xb8;
	[tilespmem:$0x10100] =	vst v63  }
0x37: {  	s19 =	simm.s32 $0xB100  }
0x38: {  	[tilespmem:s19], [sflag:$0x6] =	stream.indirect_vreg.gather [hbm4b:s13+s5], $0x80, v2, vm0, $0xb8;
	[tilespmem:$0x10100] =	vst v63  }
0x39: {  	s20 =	simm.s32 $0xB900  }
0x3a: {  	[tilespmem:s20], [sflag:$0x6] =	stream.indirect_vreg.gather [hbm4b:s14+s5], $0x80, v2, vm0, $0xb8;
	[tilespmem:$0x10100] =	vst v63  }
0x3b: {  	v2 =	vld.msk [tilespmem:$0x10], $0xff;
	_ =	sdelay $0x4  }
0x3c: {  	v3 =	vshll.u32 v2, $0x3  }
0x3d: {  	v2 =	vand.u32 $0x7, v2;
	v3 =	vand.u32 $0xFFFFFFC0, v3  }
0x3e: {  	v2 =	vor.u32 v2, v3  }
0x3f: {  	v2 =	vperm.xlane v2, v0;
	_ =	sdelay $0x1  }
0x40: {  	v2 =	vadd.s32 v1, v2;
	_ =	sdelay $0x3  }
0x41: {  	s22 =	simm.s32 $0xC100  }
0x42: {  	[tilespmem:s22], [sflag:$0x7] =	stream.indirect_vreg.gather [hbm4b:s2+s5], $0x80, v2, vm0, $0xb8;
	[tilespmem:$0x10100] =	vst v63  }
0x43: {  	s23 =	simm.s32 $0xC900  }
0x44: {  	[tilespmem:s23], [sflag:$0x7] =	stream.indirect_vreg.gather [hbm4b:s12+s5], $0x80, v2, vm0, $0xb8;
	[tilespmem:$0x10100] =	vst v63  }
0x45: {  	s24 =	simm.s32 $0xD100  }
0x46: {  	[tilespmem:s24], [sflag:$0x7] =	stream.indirect_vreg.gather [hbm4b:s13+s5], $0x80, v2, vm0, $0xb8;
	[tilespmem:$0x10100] =	vst v63  }
0x47: {  	s7 =	simm.s32 $0x0;
	s25 =	simm.s32 $0xD900  }
0x48: {  	[tilespmem:s25], [sflag:$0x7] =	stream.indirect_vreg.gather [hbm4b:s14+s5], $0x80, v2, vm0, $0xb8;
	[tilespmem:$0x10100] =	vst v63  }
.LBB2_2:
0x49: {  	s17 =	sshll.u32 s7, $0x2  }
0x4a: {  	p0 =	seq.s32 s7, $0x0;
	s20 =	sor.u32 $0x3, s17  }
0x4b: {  	s17 =	simm.s32 @!p0 $0xC;
	s18 =	sshll.u32 s20, $0x3  }
0x4c: {  	_ =	swait.ge @!p0 [sflag:s17], $0x2000;
	s19 =	sadd.s32 s6, s18  }
0x4d: {  	[sflag:s17] =	ssyncset.done @!p0 $0x0;
	s19 =	sshll.u32 s19, $0x7  }
0x4e: {  	[sflag:s17] =	ssyncadd.s32 @!p0 $0xFFFFE000;
	s17 =	simm.s32 $0x0;
	s19 =	sadd.s32 s1, s19  }
0x4f: {  	[tilespmem:s21], [sflag:$0x4] =	stream.linear.gather [hbm4b:s19+s17], $0x2000, $0x38;
	[tilespmem:$0x10100] =	vst v63  }
0x50: {  	v2 =	vld.msk [tilespmem:s18+$0x0], $0xff;
	_ =	sdelay $0x4  }
0x51: {  	v3 =	vshll.u32 v2, $0x3  }
0x52: {  	v2 =	vand.u32 $0x7, v2;
	v3 =	vand.u32 $0xFFFFFFC0, v3  }
0x53: {  	v2 =	vor.u32 v2, v3  }
0x54: {  	v2 =	vperm.xlane v2, v0;
	_ =	sdelay $0x1  }
0x55: {  	v2 =	vadd.s32 v1, v2;
	_ =	sdelay $0x3  }
0x56: {  	s22 =	simm.s32 $0xE100  }
0x57: {  	[tilespmem:s22], [sflag:$0x8] =	stream.indirect_vreg.gather [hbm4b:s2+s17], $0x80, v2, vm0, $0xb8;
	[tilespmem:$0x10100] =	vst v63  }
0x58: {  	s23 =	simm.s32 $0xE900  }
0x59: {  	[tilespmem:s23], [sflag:$0x8] =	stream.indirect_vreg.gather [hbm4b:s12+s17], $0x80, v2, vm0, $0xb8;
	[tilespmem:$0x10100] =	vst v63  }
0x5a: {  	s24 =	simm.s32 $0xF100  }
0x5b: {  	[tilespmem:s24], [sflag:$0x8] =	stream.indirect_vreg.gather [hbm4b:s13+s17], $0x80, v2, vm0, $0xb8;
	[tilespmem:$0x10100] =	vst v63  }
0x5c: {  	s25 =	simm.s32 $0xF900  }
0x5d: {  	[tilespmem:s25], [sflag:$0x8] =	stream.indirect_vreg.gather [hbm4b:s14+s17], $0x80, v2, vm0, $0xb8;
	[tilespmem:$0x10100] =	vst v63  }
0x5e: {  	_ =	swait.ge [sflag:s26], $0x2000  }
0x5f: {  	[sflag:s26] =	ssyncset.done $0x0  }
0x60: {  	[sflag:s26] =	ssyncadd.s32 $0xFFFFE000  }
0x61: {  	_ =	swait.ge [sflag:s28], $0x2000  }
0x62: {  	[sflag:s28] =	ssyncset.done $0x0  }
0x63: {  	s18 =	simm.s32 $0x0;
	[sflag:s28] =	ssyncadd.s32 $0xFFFFE000  }
.LBB2_3:
0x64: {  	s22 =	sshra.s32 s17, $0x2  }
0x65: {  	v2 =	vld [tilespmem:s22+$0x8170]  }
0x66: {  	v3 =	vld [tilespmem:s22+$0x8100]  }
0x67: {  	v4 =	vld [tilespmem:s22+$0x8110]  }
0x68: {  	v5 =	vld [tilespmem:s22+$0x8120]  }
0x69: {  	v6 =	vld [tilespmem:s22+$0x8130]  }
0x6a: {  	v7 =	vld [tilespmem:s22+$0x8140]  }
0x6b: {  	v8 =	vld [tilespmem:s22+$0x8150]  }
0x6c: {  	[tilespmem:s22+$0x170] =	vst.add.f32.msk $0xffff, v2  }
0x6d: {  	v2 =	vld [tilespmem:s22+$0x8160]  }
0x6e: {  	[tilespmem:s22+$0x100] =	vst.add.f32.msk $0xffff, v3  }
0x6f: {  	[tilespmem:s22+$0x110] =	vst.add.f32.msk $0xffff, v4  }
0x70: {  	[tilespmem:s22+$0x120] =	vst.add.f32.msk $0xffff, v5  }
0x71: {  	[tilespmem:s22+$0x130] =	vst.add.f32.msk $0xffff, v6  }
0x72: {  	[tilespmem:s22+$0x140] =	vst.add.f32.msk $0xffff, v7  }
0x73: {  	s19 =	simm.s32 $0x0;
	s23 =	sadd.s32 $0x1000, s17;
	[tilespmem:s22+$0x150] =	vst.add.f32.msk $0xffff, v8  }
.LBB2_4:
0x74: {  	s19 =	sadd.s32 $0x8, s19;
	[tilespmem:s22+$0x160] =	vst.add.f32.msk $0xffff, v2;
	s22 =	sshra.s32 s23, $0x2  }
0x75: {  	v2 =	vld [tilespmem:s22+$0x8170];
	p0 =	slt.u32 s19, $0x38  }
0x76: {  	v3 =	vld [tilespmem:s22+$0x8100]  }
0x77: {  	v4 =	vld [tilespmem:s22+$0x8110]  }
0x78: {  	v5 =	vld [tilespmem:s22+$0x8120]  }
0x79: {  	v6 =	vld [tilespmem:s22+$0x8130]  }
0x7a: {  	[tilespmem:s22+$0x170] =	vst.add.f32.msk $0xffff, v2  }
0x7b: {  	v7 =	vld [tilespmem:s22+$0x8140]  }
0x7c: {  	v8 =	vld [tilespmem:s22+$0x8150]  }
0x7d: {  	v2 =	vld [tilespmem:s22+$0x8160]  }
0x7e: {  	[tilespmem:s22+$0x100] =	vst.add.f32.msk $0xffff, v3  }
.Ltmp0:
0x7f: {  	[tilespmem:s22+$0x110] =	vst.add.f32.msk $0xffff, v4;
	(pc) =	sbr.rel @p0 .LBB2_4-.Ltmp0, $4  }
0x80: {  	[tilespmem:s22+$0x120] =	vst.add.f32.msk $0xffff, v5  }
0x81: {  	[tilespmem:s22+$0x130] =	vst.add.f32.msk $0xffff, v6  }
0x82: {  	[tilespmem:s22+$0x140] =	vst.add.f32.msk $0xffff, v7  }
0x83: {  	s23 =	sadd.s32 $0x1000, s23;
	[tilespmem:s22+$0x150] =	vst.add.f32.msk $0xffff, v8  }
0x84: {  	s18 =	sadd.s32 $0x1, s18  }
0x85: {  	p0 =	sne.s32 s18, $0x8  }
.Ltmp1:
0x86: {  	_ = 	snop;
	(pc) =	sbr.rel @p0 .LBB2_3-.Ltmp1, $2  }
0x87: {  	_ =	sdelay $0x2  }
0x88: {  	[tilespmem:s22+$0x160] =	vst.add.f32.msk $0xffff, v2;
	s17 =	sadd.s32 $0x200, s17  }
0x89: {  	s17 =	sshll.u32 s7, $0xC  }
0x8a: {  	s18 =	simm.s32 $0x100;
	p0 =	seq.s32 s7, $0x7;
	s17 =	sadd.s32 s17, s15  }
0x8b: {  	[hbm4b:s17+s5] =	stream.linear.scatter [tilespmem:s18], [sflag:$0x9], $0x2000, $0x38;
	[tilespmem:$0x10100] =	vst v63  }
0x8c: {  	s17 =	sshll.u32 @!p0 s7, $0x5  }
0x8d: {  	s18 =	sadd.s32 @!p0 $0x20, s17  }
0x8e: {  	_ =	swait.ge [sflag:s29], $0x2000;
	s18 =	sadd.s32 @!p0 s6, s18  }
0x8f: {  	s19 =	simm.s32 @!p0 $0x0;
	[sflag:s29] =	ssyncset.done $0x0;
	s18 =	sshll.u32 @!p0 s18, $0x7  }
0x90: {  	s22 =	simm.s32 @!p0 $0x100;
	[sflag:s29] =	ssyncadd.s32 $0xFFFFE000;
	s18 =	sadd.s32 @!p0 s1, s18  }
0x91: {  	[tilespmem:s22], [sflag:$0x1] =	stream.linear.gather @!p0 [hbm4b:s18+s19], $0x2000, $0x38;
	[tilespmem:$0x10100] =	vst v63  }
0x92: {  	v2 =	vld.msk @!p0 [tilespmem:s17+$0x20], $0xff;
	_ =	sdelay $0x4  }
0x93: {  	v3 =	vshll.u32 @!p0 v2, $0x3  }
0x94: {  	v4 =	vlaneseq.u32 @!p0;
	v2 =	vand.u32 @!p0 $0x7, v2;
	v3 =	vand.u32 @!p0 $0xFFFFFFC0, v3  }
0x95: {  	v2 =	vor.u32 @!p0 v2, v3;
	v3 =	vand.u32 @!p0 $0x7, v4;
	v4 =	vshrl.u32 @!p0 v4, $0x3  }
0x96: {  	v2 =	vperm.xlane @!p0 v2, v3;
	v3 =	vmul.u32 @!p0 $0x8, v4;
	_ =	sdelay $0x1  }
0x97: {  	v2 =	vadd.s32 @!p0 v3, v2;
	_ =	sdelay $0x3  }
0x98: {  	vm1 =	vmmov @!p0 $0xffff;
	s17 =	simm.s32 @!p0 $0x8100  }
0x99: {  	[tilespmem:s17], [sflag:$0x5] =	stream.indirect_vreg.gather @!p0 [hbm4b:s2+s19], $0x80, v2, vm1, $0xb8;
	[tilespmem:$0x10100] =	vst v63  }
0x9a: {  	s17 =	simm.s32 @!p0 $0x8900  }
0x9b: {  	[tilespmem:s17], [sflag:$0x5] =	stream.indirect_vreg.gather @!p0 [hbm4b:s12+s19], $0x80, v2, vm1, $0xb8;
	[tilespmem:$0x10100] =	vst v63  }
0x9c: {  	s17 =	simm.s32 @!p0 $0x9100  }
0x9d: {  	[tilespmem:s17], [sflag:$0x5] =	stream.indirect_vreg.gather @!p0 [hbm4b:s13+s19], $0x80, v2, vm1, $0xb8;
	[tilespmem:$0x10100] =	vst v63  }
0x9e: {  	s17 =	simm.s32 @!p0 $0x9900  }
0x9f: {  	[tilespmem:s17], [sflag:$0x5] =	stream.indirect_vreg.gather @!p0 [hbm4b:s14+s19], $0x80, v2, vm1, $0xb8;
	[tilespmem:$0x10100] =	vst v63  }
0xa0: {  	_ =	swait.ge [sflag:s30], $0x2000  }
0xa1: {  	[sflag:s30] =	ssyncset.done $0x0  }
0xa2: {  	[sflag:s30] =	ssyncadd.s32 $0xFFFFE000  }
0xa3: {  	_ =	swait.ge [sflag:s31], $0x2000  }
0xa4: {  	[sflag:s31] =	ssyncset.done $0x0  }
0xa5: {  	s18 =	simm.s32 $0x0;
	s17 =	simm.s32 $0x0;
	[sflag:s31] =	ssyncadd.s32 $0xFFFFE000  }
.LBB2_7:
0xa6: {  	s22 =	sshra.s32 s17, $0x2  }
0xa7: {  	v2 =	vld [tilespmem:s22+$0xA170]  }
0xa8: {  	v3 =	vld [tilespmem:s22+$0xA100]  }
0xa9: {  	v4 =	vld [tilespmem:s22+$0xA110]  }
0xaa: {  	v5 =	vld [tilespmem:s22+$0xA120]  }
0xab: {  	v6 =	vld [tilespmem:s22+$0xA130]  }
0xac: {  	v7 =	vld [tilespmem:s22+$0xA140]  }
0xad: {  	v8 =	vld [tilespmem:s22+$0xA150]  }
0xae: {  	[tilespmem:s22+$0x2170] =	vst.add.f32.msk $0xffff, v2  }
0xaf: {  	v2 =	vld [tilespmem:s22+$0xA160]  }
0xb0: {  	[tilespmem:s22+$0x2100] =	vst.add.f32.msk $0xffff, v3  }
0xb1: {  	[tilespmem:s22+$0x2110] =	vst.add.f32.msk $0xffff, v4  }
0xb2: {  	[tilespmem:s22+$0x2120] =	vst.add.f32.msk $0xffff, v5  }
0xb3: {  	[tilespmem:s22+$0x2130] =	vst.add.f32.msk $0xffff, v6  }
0xb4: {  	[tilespmem:s22+$0x2140] =	vst.add.f32.msk $0xffff, v7  }
0xb5: {  	s19 =	simm.s32 $0x0;
	s23 =	sadd.s32 $0x1000, s17;
	[tilespmem:s22+$0x2150] =	vst.add.f32.msk $0xffff, v8  }
.LBB2_8:
0xb6: {  	s19 =	sadd.s32 $0x8, s19;
	[tilespmem:s22+$0x2160] =	vst.add.f32.msk $0xffff, v2;
	s22 =	sshra.s32 s23, $0x2  }
0xb7: {  	v2 =	vld [tilespmem:s22+$0xA170];
	p1 =	slt.u32 s19, $0x38  }
0xb8: {  	v3 =	vld [tilespmem:s22+$0xA100]  }
0xb9: {  	v4 =	vld [tilespmem:s22+$0xA110]  }
0xba: {  	v5 =	vld [tilespmem:s22+$0xA120]  }
0xbb: {  	v6 =	vld [tilespmem:s22+$0xA130]  }
0xbc: {  	[tilespmem:s22+$0x2170] =	vst.add.f32.msk $0xffff, v2  }
0xbd: {  	v7 =	vld [tilespmem:s22+$0xA140]  }
0xbe: {  	v8 =	vld [tilespmem:s22+$0xA150]  }
0xbf: {  	v2 =	vld [tilespmem:s22+$0xA160]  }
0xc0: {  	[tilespmem:s22+$0x2100] =	vst.add.f32.msk $0xffff, v3  }
.Ltmp2:
0xc1: {  	[tilespmem:s22+$0x2110] =	vst.add.f32.msk $0xffff, v4;
	(pc) =	sbr.rel @p1 .LBB2_8-.Ltmp2, $4  }
0xc2: {  	[tilespmem:s22+$0x2120] =	vst.add.f32.msk $0xffff, v5  }
0xc3: {  	[tilespmem:s22+$0x2130] =	vst.add.f32.msk $0xffff, v6  }
0xc4: {  	[tilespmem:s22+$0x2140] =	vst.add.f32.msk $0xffff, v7  }
0xc5: {  	s23 =	sadd.s32 $0x1000, s23;
	[tilespmem:s22+$0x2150] =	vst.add.f32.msk $0xffff, v8  }
0xc6: {  	s18 =	sadd.s32 $0x1, s18  }
0xc7: {  	p1 =	sne.s32 s18, $0x8  }
.Ltmp3:
0xc8: {  	_ = 	snop;
	(pc) =	sbr.rel @p1 .LBB2_7-.Ltmp3, $2  }
0xc9: {  	_ =	sdelay $0x2  }
0xca: {  	[tilespmem:s22+$0x2160] =	vst.add.f32.msk $0xffff, v2;
	s17 =	sadd.s32 $0x200, s17  }
0xcb: {  	s17 =	sshll.u32 s7, $0x5  }
0xcc: {  	s18 =	sadd.s32 s17, s6  }
0xcd: {  	s18 =	sshll.u32 s18, $0x7  }
0xce: {  	s22 =	sadd.s32 s4, s18  }
0xcf: {  	s19 =	simm.s32 $0x2100;
	s18 =	sadd.s32 $0x400, s22  }
0xd0: {  	[hbm4b:s18+s5] =	stream.linear.scatter [tilespmem:s19], [sflag:$0xA], $0x2000, $0x38;
	[tilespmem:$0x10100] =	vst v63  }
0xd1: {  	s18 =	sadd.s32 @!p0 $0x28, s17  }
0xd2: {  	_ =	swait.ge [sflag:s0], $0x2000;
	s18 =	sadd.s32 @!p0 s6, s18  }
0xd3: {  	s23 =	simm.s32 @!p0 $0x2100;
	[sflag:s0] =	ssyncset.done $0x0;
	s18 =	sshll.u32 @!p0 s18, $0x7  }
0xd4: {  	s19 =	simm.s32 @!p0 $0x0;
	[sflag:s0] =	ssyncadd.s32 $0xFFFFE000;
	s18 =	sadd.s32 @!p0 s1, s18  }
0xd5: {  	[tilespmem:s23], [sflag:$0x2] =	stream.linear.gather @!p0 [hbm4b:s18+s19], $0x2000, $0x38;
	[tilespmem:$0x10100] =	vst v63  }
0xd6: {  	v2 =	vld.msk @!p0 [tilespmem:s17+$0x28], $0xff;
	_ =	sdelay $0x4  }
0xd7: {  	v3 =	vshll.u32 @!p0 v2, $0x3  }
0xd8: {  	v4 =	vlaneseq.u32 @!p0;
	v2 =	vand.u32 @!p0 $0x7, v2;
	v3 =	vand.u32 @!p0 $0xFFFFFFC0, v3  }
0xd9: {  	v2 =	vor.u32 @!p0 v2, v3;
	v3 =	vand.u32 @!p0 $0x7, v4;
	v4 =	vshrl.u32 @!p0 v4, $0x3  }
0xda: {  	v2 =	vperm.xlane @!p0 v2, v3;
	v3 =	vmul.u32 @!p0 $0x8, v4;
	_ =	sdelay $0x1  }
0xdb: {  	v2 =	vadd.s32 @!p0 v3, v2;
	_ =	sdelay $0x3  }
0xdc: {  	s18 =	simm.s32 @!p0 $0xA100  }
0xdd: {  	[tilespmem:s18], [sflag:$0x6] =	stream.indirect_vreg.gather @!p0 [hbm4b:s2+s19], $0x80, v2, vm1, $0xb8;
	[tilespmem:$0x10100] =	vst v63  }
0xde: {  	s18 =	simm.s32 @!p0 $0xA900  }
0xdf: {  	[tilespmem:s18], [sflag:$0x6] =	stream.indirect_vreg.gather @!p0 [hbm4b:s12+s19], $0x80, v2, vm1, $0xb8;
	[tilespmem:$0x10100] =	vst v63  }
0xe0: {  	s18 =	simm.s32 @!p0 $0xB100  }
0xe1: {  	[tilespmem:s18], [sflag:$0x6] =	stream.indirect_vreg.gather @!p0 [hbm4b:s13+s19], $0x80, v2, vm1, $0xb8;
	[tilespmem:$0x10100] =	vst v63  }
0xe2: {  	s18 =	simm.s32 @!p0 $0xB900  }
0xe3: {  	[tilespmem:s18], [sflag:$0x6] =	stream.indirect_vreg.gather @!p0 [hbm4b:s14+s19], $0x80, v2, vm1, $0xb8;
	[tilespmem:$0x10100] =	vst v63  }
0xe4: {  	_ =	swait.ge [sflag:s3], $0x2000  }
0xe5: {  	[sflag:s3] =	ssyncset.done $0x0  }
0xe6: {  	[sflag:s3] =	ssyncadd.s32 $0xFFFFE000  }
0xe7: {  	_ =	swait.ge [sflag:s9], $0x2000  }
0xe8: {  	[sflag:s9] =	ssyncset.done $0x0  }
0xe9: {  	s23 =	simm.s32 $0x0;
	s18 =	simm.s32 $0x0;
	[sflag:s9] =	ssyncadd.s32 $0xFFFFE000  }
.LBB2_11:
0xea: {  	s19 =	sshra.s32 s18, $0x2  }
0xeb: {  	v2 =	vld [tilespmem:s19+$0xC170]  }
0xec: {  	v3 =	vld [tilespmem:s19+$0xC100]  }
0xed: {  	v4 =	vld [tilespmem:s19+$0xC110]  }
0xee: {  	v5 =	vld [tilespmem:s19+$0xC120]  }
0xef: {  	v6 =	vld [tilespmem:s19+$0xC130]  }
0xf0: {  	v7 =	vld [tilespmem:s19+$0xC140]  }
0xf1: {  	v8 =	vld [tilespmem:s19+$0xC150]  }
0xf2: {  	[tilespmem:s19+$0x4170] =	vst.add.f32.msk $0xffff, v2  }
0xf3: {  	v2 =	vld [tilespmem:s19+$0xC160]  }
0xf4: {  	[tilespmem:s19+$0x4100] =	vst.add.f32.msk $0xffff, v3  }
0xf5: {  	[tilespmem:s19+$0x4110] =	vst.add.f32.msk $0xffff, v4  }
0xf6: {  	[tilespmem:s19+$0x4120] =	vst.add.f32.msk $0xffff, v5  }
0xf7: {  	[tilespmem:s19+$0x4130] =	vst.add.f32.msk $0xffff, v6  }
0xf8: {  	[tilespmem:s19+$0x4140] =	vst.add.f32.msk $0xffff, v7  }
0xf9: {  	s24 =	simm.s32 $0x0;
	s25 =	sadd.s32 $0x1000, s18;
	[tilespmem:s19+$0x4150] =	vst.add.f32.msk $0xffff, v8  }
.LBB2_12:
0xfa: {  	s24 =	sadd.s32 $0x8, s24;
	[tilespmem:s19+$0x4160] =	vst.add.f32.msk $0xffff, v2;
	s19 =	sshra.s32 s25, $0x2  }
0xfb: {  	v2 =	vld [tilespmem:s19+$0xC170];
	p1 =	slt.u32 s24, $0x38  }
0xfc: {  	v3 =	vld [tilespmem:s19+$0xC100]  }
0xfd: {  	v4 =	vld [tilespmem:s19+$0xC110]  }
0xfe: {  	v5 =	vld [tilespmem:s19+$0xC120]  }
0xff: {  	v6 =	vld [tilespmem:s19+$0xC130]  }
0x100: {  	[tilespmem:s19+$0x4170] =	vst.add.f32.msk $0xffff, v2  }
0x101: {  	v7 =	vld [tilespmem:s19+$0xC140]  }
0x102: {  	v8 =	vld [tilespmem:s19+$0xC150]  }
0x103: {  	v2 =	vld [tilespmem:s19+$0xC160]  }
0x104: {  	[tilespmem:s19+$0x4100] =	vst.add.f32.msk $0xffff, v3  }
.Ltmp4:
0x105: {  	[tilespmem:s19+$0x4110] =	vst.add.f32.msk $0xffff, v4;
	(pc) =	sbr.rel @p1 .LBB2_12-.Ltmp4, $4  }
0x106: {  	[tilespmem:s19+$0x4120] =	vst.add.f32.msk $0xffff, v5  }
0x107: {  	[tilespmem:s19+$0x4130] =	vst.add.f32.msk $0xffff, v6  }
0x108: {  	[tilespmem:s19+$0x4140] =	vst.add.f32.msk $0xffff, v7  }
0x109: {  	s25 =	sadd.s32 $0x1000, s25;
	[tilespmem:s19+$0x4150] =	vst.add.f32.msk $0xffff, v8  }
0x10a: {  	s23 =	sadd.s32 $0x1, s23  }
0x10b: {  	p1 =	sne.s32 s23, $0x8  }
.Ltmp5:
0x10c: {  	_ = 	snop;
	(pc) =	sbr.rel @p1 .LBB2_11-.Ltmp5, $2  }
0x10d: {  	_ =	sdelay $0x2  }
0x10e: {  	[tilespmem:s19+$0x4160] =	vst.add.f32.msk $0xffff, v2;
	s18 =	sadd.s32 $0x200, s18  }
0x10f: {  	s18 =	sadd.s32 $0x800, s22;
	s19 =	simm.s32 $0x4100  }
0x110: {  	[hbm4b:s18+s5] =	stream.linear.scatter [tilespmem:s19], [sflag:$0xB], $0x2000, $0x38;
	[tilespmem:$0x10100] =	vst v63  }
0x111: {  	s18 =	sadd.s32 @!p0 $0x30, s17  }
0x112: {  	_ =	swait.ge [sflag:s10], $0x2000;
	s18 =	sadd.s32 @!p0 s6, s18  }
0x113: {  	s22 =	simm.s32 @!p0 $0x4100;
	[sflag:s10] =	ssyncset.done $0x0;
	s18 =	sshll.u32 @!p0 s18, $0x7  }
0x114: {  	s19 =	simm.s32 @!p0 $0x0;
	[sflag:s10] =	ssyncadd.s32 $0xFFFFE000;
	s18 =	sadd.s32 @!p0 s1, s18  }
0x115: {  	[tilespmem:s22], [sflag:$0x3] =	stream.linear.gather @!p0 [hbm4b:s18+s19], $0x2000, $0x38;
	[tilespmem:$0x10100] =	vst v63  }
0x116: {  	v2 =	vld.msk @!p0 [tilespmem:s17+$0x30], $0xff;
	_ =	sdelay $0x4  }
0x117: {  	v3 =	vshll.u32 @!p0 v2, $0x3  }
0x118: {  	v4 =	vlaneseq.u32 @!p0;
	v2 =	vand.u32 @!p0 $0x7, v2;
	v3 =	vand.u32 @!p0 $0xFFFFFFC0, v3  }
0x119: {  	v2 =	vor.u32 @!p0 v2, v3;
	v3 =	vand.u32 @!p0 $0x7, v4;
	v4 =	vshrl.u32 @!p0 v4, $0x3  }
0x11a: {  	v2 =	vperm.xlane @!p0 v2, v3;
	v3 =	vmul.u32 @!p0 $0x8, v4;
	_ =	sdelay $0x1  }
0x11b: {  	v2 =	vadd.s32 @!p0 v3, v2;
	_ =	sdelay $0x3  }
0x11c: {  	s17 =	simm.s32 @!p0 $0xC100  }
0x11d: {  	[tilespmem:s17], [sflag:$0x7] =	stream.indirect_vreg.gather @!p0 [hbm4b:s2+s19], $0x80, v2, vm1, $0xb8;
	[tilespmem:$0x10100] =	vst v63  }
0x11e: {  	s17 =	simm.s32 @!p0 $0xC900  }
0x11f: {  	[tilespmem:s17], [sflag:$0x7] =	stream.indirect_vreg.gather @!p0 [hbm4b:s12+s19], $0x80, v2, vm1, $0xb8;
	[tilespmem:$0x10100] =	vst v63  }
0x120: {  	s17 =	simm.s32 @!p0 $0xD100  }
0x121: {  	[tilespmem:s17], [sflag:$0x7] =	stream.indirect_vreg.gather @!p0 [hbm4b:s13+s19], $0x80, v2, vm1, $0xb8;
	[tilespmem:$0x10100] =	vst v63  }
0x122: {  	s17 =	simm.s32 @!p0 $0xD900  }
0x123: {  	[tilespmem:s17], [sflag:$0x7] =	stream.indirect_vreg.gather @!p0 [hbm4b:s14+s19], $0x80, v2, vm1, $0xb8;
	[tilespmem:$0x10100] =	vst v63  }
0x124: {  	_ =	swait.ge [sflag:s11], $0x2000  }
0x125: {  	[sflag:s11] =	ssyncset.done $0x0  }
0x126: {  	[sflag:s11] =	ssyncadd.s32 $0xFFFFE000  }
0x127: {  	_ =	swait.ge [sflag:s16], $0x2000  }
0x128: {  	[sflag:s16] =	ssyncset.done $0x0  }
0x129: {  	s18 =	simm.s32 $0x0;
	s17 =	simm.s32 $0x0;
	[sflag:s16] =	ssyncadd.s32 $0xFFFFE000  }
.LBB2_15:
0x12a: {  	s19 =	sshra.s32 s17, $0x2  }
0x12b: {  	v2 =	vld [tilespmem:s19+$0xE170]  }
0x12c: {  	v3 =	vld [tilespmem:s19+$0xE100]  }
0x12d: {  	v4 =	vld [tilespmem:s19+$0xE110]  }
0x12e: {  	v5 =	vld [tilespmem:s19+$0xE120]  }
0x12f: {  	v6 =	vld [tilespmem:s19+$0xE130]  }
0x130: {  	v7 =	vld [tilespmem:s19+$0xE140]  }
0x131: {  	v8 =	vld [tilespmem:s19+$0xE150]  }
0x132: {  	[tilespmem:s19+$0x6170] =	vst.add.f32.msk $0xffff, v2  }
0x133: {  	v2 =	vld [tilespmem:s19+$0xE160]  }
0x134: {  	[tilespmem:s19+$0x6100] =	vst.add.f32.msk $0xffff, v3  }
0x135: {  	[tilespmem:s19+$0x6110] =	vst.add.f32.msk $0xffff, v4  }
0x136: {  	[tilespmem:s19+$0x6120] =	vst.add.f32.msk $0xffff, v5  }
0x137: {  	[tilespmem:s19+$0x6130] =	vst.add.f32.msk $0xffff, v6  }
0x138: {  	[tilespmem:s19+$0x6140] =	vst.add.f32.msk $0xffff, v7  }
0x139: {  	s22 =	simm.s32 $0x0;
	s23 =	sadd.s32 $0x1000, s17;
	[tilespmem:s19+$0x6150] =	vst.add.f32.msk $0xffff, v8  }
.LBB2_16:
0x13a: {  	s22 =	sadd.s32 $0x8, s22;
	[tilespmem:s19+$0x6160] =	vst.add.f32.msk $0xffff, v2;
	s19 =	sshra.s32 s23, $0x2  }
0x13b: {  	v2 =	vld [tilespmem:s19+$0xE170];
	p0 =	slt.u32 s22, $0x38  }
0x13c: {  	v3 =	vld [tilespmem:s19+$0xE100]  }
0x13d: {  	v4 =	vld [tilespmem:s19+$0xE110]  }
0x13e: {  	v5 =	vld [tilespmem:s19+$0xE120]  }
0x13f: {  	v6 =	vld [tilespmem:s19+$0xE130]  }
0x140: {  	[tilespmem:s19+$0x6170] =	vst.add.f32.msk $0xffff, v2  }
0x141: {  	v7 =	vld [tilespmem:s19+$0xE140]  }
0x142: {  	v8 =	vld [tilespmem:s19+$0xE150]  }
0x143: {  	v2 =	vld [tilespmem:s19+$0xE160]  }
0x144: {  	[tilespmem:s19+$0x6100] =	vst.add.f32.msk $0xffff, v3  }
.Ltmp6:
0x145: {  	[tilespmem:s19+$0x6110] =	vst.add.f32.msk $0xffff, v4;
	(pc) =	sbr.rel @p0 .LBB2_16-.Ltmp6, $4  }
0x146: {  	[tilespmem:s19+$0x6120] =	vst.add.f32.msk $0xffff, v5  }
0x147: {  	[tilespmem:s19+$0x6130] =	vst.add.f32.msk $0xffff, v6  }
0x148: {  	[tilespmem:s19+$0x6140] =	vst.add.f32.msk $0xffff, v7  }
0x149: {  	s23 =	sadd.s32 $0x1000, s23;
	[tilespmem:s19+$0x6150] =	vst.add.f32.msk $0xffff, v8  }
0x14a: {  	s18 =	sadd.s32 $0x1, s18  }
0x14b: {  	p0 =	sne.s32 s18, $0x8  }
.Ltmp7:
0x14c: {  	_ = 	snop;
	(pc) =	sbr.rel @p0 .LBB2_15-.Ltmp7, $2  }
0x14d: {  	_ =	sdelay $0x2  }
0x14e: {  	[tilespmem:s19+$0x6160] =	vst.add.f32.msk $0xffff, v2;
	s17 =	sadd.s32 $0x200, s17  }
0x14f: {  	s7 =	sadd.s32 $0x1, s7  }
0x150: {  	p0 =	sne.s32 s7, $0x8  }
.Ltmp8:
0x151: {  	_ = 	snop;
	(pc) =	sbr.rel @p0 .LBB2_2-.Ltmp8, $4  }
0x152: {  	s17 =	sadd.s32 s8, s20  }
0x153: {  	s17 =	sshll.u32 s17, $0xA  }
0x154: {  	s17 =	sadd.s32 s4, s17  }
0x155: {  	[hbm4b:s17+s5] =	stream.linear.scatter [tilespmem:s21], [sflag:$0xC], $0x2000, $0x38;
	[tilespmem:$0x10100] =	vst v63  }
0x156: {  	s17 =	simm.s32 $0xC  }
0x157: {  	_ =	swait.ge [sflag:s17], $0x2000  }
0x158: {  	s18 =	rddreg [dreg:$0xa]  }
0x159: {  	s7 =	rddreg [dreg:$0x9];
	s18 =	sadd.s32 $0x1, s18  }
0x15a: {  	p0 =	sne.s32 s18, s7  }
.Ltmp9:
0x15b: {  	_ = 	snop;
	(pc) =	sbr.rel @p0 .LBB2_1-.Ltmp9, $3  }
0x15c: {  	_ =	sdelay $0x1  }
0x15d: {  	[sflag:s17] =	ssyncset.done $0x0  }
0x15e: {  	[sflag:s17] =	ssyncadd.s32 $0xFFFFE000  }
0x15f: {  	_ =	sfence.sel $0x180000  }
0x160: {  	[bflag:$0x0] =	sbarrier.arrive $0xFFFF  }
0x161: {  	_ =	strace $0x90000047  }
0x162: {  	s0 =	stileid.u32;
	[bflag:$0x2] =	sbarrier.arrive $0xFFFF  }
0x163: {  	p0 =	sne.s32 s0, $0x0;
	s0 =	rddreg [dreg:$0x4]  }
0x164: {  	s0 =	sadd.s32 @!p0 $0x100000, s0  }
0x165: {  	[sflag:s0] =	ssyncadd.tile.s32 @!p0 $0x1;
	_ =	shalt  }
.Lfunc_end2:
_tile_overlayer_lowered:
.L_overlay_start_2:
0x166: {  	(tag) =	ssettag $0x2  }
0x167: {  	s0 =	rddreg [dreg:$0x0];
	s2 =	stileid.u32  }
0x168: {  	s1 =	rddreg [dreg:$0x1];
	p0 =	sne.s32 s2, $0x0  }
0x169: {  	s3 =	rddreg [dreg:$0x2];
	[bflag:$0x3] =	sbarrier.arrive $0xFFFF;
	s2 =	simm.s32 @!p0 $0x1C0D  }
0x16a: {  	[timem:s3], [sflag:s2] =	dma.local @!p0 [hbm:s0], s1  }
0x16b: {  	s0 =	simm.s32 @!p0 $0xD  }
0x16c: {  	_ =	swait.ge @!p0 [sflag:s0], s1  }
0x16d: {  	s1 =	ssub.s32 @!p0 $0x0, s1;
	[sflag:s0] =	ssyncset.done @!p0 $0x0  }
0x16e: {  	[sflag:s0] =	ssyncadd.s32 @!p0 s1  }
0x16f: {  	[bflag:$0x3] =	sbarrier.arrive $0xFFFF  }
0x170: {  	_ =	shalt  }

</sc_bundles>
